<compile_context>
chip_gen: v7x
topology: tpu7x:2x2x1
jax: 0.10.2.dev20260603
libtpu: 0.0.44.dev20260713+nightly
codegen_flags: <defaults>
</compile_context>

<pallas_src>
import functools

import jax
import jax.numpy as jnp
from jax import lax
import jax.experimental.pallas as pl
from jax.experimental.pallas import tpu as pltpu
from jax.experimental.pallas import tpu_sc as plsc

_N = 10000
_E = 320000
_D = 128
_R = 8
_C = 16

_K = 128
_NI = 40
_EPW = _K * 4 * _NI
_EPAD = 16 * _EPW
_AROWS = 10240
_TROWS = _AROWS // 16

_RB = 1000
_GRID = _N // _RB


def _sc_body(tbl_ref, idx_ref, dst_ref, out_ref,
             ib0, ib1, ib2, ib3, db0, db1, db2, db3, rows0, rows1, acc,
             is0, is1, is2, is3, gs0, gs1, ss0, ss1):
    core = lax.axis_index("c")
    s = lax.axis_index("s")
    ebase = s * _EPW
    ni = _NI
    ibufs = [ib0, ib1, ib2, ib3]
    dbufs = [db0, db1, db2, db3]
    isems = [is0, is1, is2, is3]
    rows = [rows0, rows1]
    gsems = [gs0, gs1]
    ssems = [ss0, ss1]

    @pl.when(core == 0)
    def _only_core0():
        _sc_work(tbl_ref, idx_ref, dst_ref, out_ref, ibufs, dbufs, rows,
                 acc, isems, gsems, ssems, s, ebase, ni)


def _sc_work(tbl_ref, idx_ref, dst_ref, out_ref, ibufs, dbufs, rows, acc,
             isems, gsems, ssems, s, ebase, ni):
    rows0 = rows[0]
    def _zrow(r, carry):
        for l in range(8):
            rows0[r, pl.ds(l * 16, 16)] = jnp.zeros((16,), jnp.float32)
        return carry

    lax.fori_loop(0, _K, _zrow, 0)
    for kk in range(_TROWS // _K):
        pltpu.sync_copy(rows0, acc.at[pl.ds(s * _TROWS + kk * _K, _K)])
    plsc.subcore_barrier()

    def fire_idx(slot, ch):
        off = ebase + ch * _K
        pltpu.async_copy(idx_ref.at[pl.ds(off, _K)], ibufs[slot], isems[slot])
        pltpu.async_copy(dst_ref.at[pl.ds(off, _K)], dbufs[slot], isems[slot])

    def wait_idx(slot):
        pltpu.make_async_copy(
            idx_ref.at[pl.ds(0, _K)], ibufs[slot], isems[slot]).wait()
        pltpu.make_async_copy(
            dst_ref.at[pl.ds(0, _K)], dbufs[slot], isems[slot]).wait()

    def fire_g(slot, pr):
        pltpu.async_copy(tbl_ref.at[ibufs[slot]], rows[pr], gsems[pr])

    def wait_g(pr):
        pltpu.make_async_copy(tbl_ref.at[ibufs[0]], rows[pr],
                              gsems[pr]).wait()

    def fire_s(slot, pr):
        pltpu.async_copy(rows[pr], acc.at[dbufs[slot]], ssems[pr], add=True)

    def drain_s(pr):
        pltpu.make_async_copy(rows[pr], acc.at[dbufs[0]], ssems[pr]).wait()

    fire_idx(0, 0)
    fire_idx(1, 1)
    wait_idx(0)
    fire_g(0, 0)

    def body(i, carry):
        cb = 4 * i
        for j in range(4):
            pj = j % 2
            if j < 2:
                fire_idx((j + 2) % 4, cb + j + 2)
            else:
                @pl.when(i < ni - 1)
                def _(jj=j):
                    fire_idx((jj + 2) % 4, cb + jj + 2)
            if j == 0:
                @pl.when(i > 0)
                def _():
                    drain_s(1)
                wait_idx(1)
                fire_g(1, 1)
            elif j < 3:
                drain_s(1 - pj)
                wait_idx((j + 1) % 4)
                fire_g((j + 1) % 4, 1 - pj)
            else:
                @pl.when(i < ni - 1)
                def _():
                    drain_s(0)
                    wait_idx(0)
                    fire_g(0, 0)
            wait_g(pj)
            fire_s(j, pj)
        return carry

    lax.fori_loop(0, ni, body, 0)
    drain_s(0)
    drain_s(1)
    plsc.subcore_barrier()
    pltpu.sync_copy(acc.at[pl.ds(s * _TROWS, _TROWS)],
                    out_ref.at[pl.ds(s * _TROWS, _TROWS)])


_sc_segsum = pl.kernel(
    _sc_body,
    out_type=jax.ShapeDtypeStruct((_AROWS, _D), jnp.float32),
    mesh=plsc.VectorSubcoreMesh(core_axis_name="c", subcore_axis_name="s"),
    scratch_types=(
        [pltpu.VMEM((_K,), jnp.int32)] * 8
        + [pltpu.VMEM((_K, _D), jnp.float32)] * 2
        + [pltpu.VMEM_SHARED((_AROWS, _D), jnp.float32)]
        + [pltpu.SemaphoreType.DMA] * 8
    ),
)


def _mm1_body(x_ref, w_ref, b_ref, tbl_ref, sl_ref):
    res = jnp.dot(x_ref[...], w_ref[...],
                  preferred_element_type=jnp.float32) + b_ref[...]
    for r in range(_R):
        tbl_ref[r] = res[:, r * _D:(r + 1) * _D]
    sl_ref[...] = res[:, _R * _D:]


def _mm2_body(acc_ref, sl_ref, w_ref, b_ref, tbl_ref, sl2_ref):
    x = jnp.maximum(acc_ref[...] + sl_ref[...], 0.0)
    res = jnp.dot(x, w_ref[...],
                  preferred_element_type=jnp.float32) + b_ref[...]
    for r in range(_R):
        tbl_ref[r] = res[:, r * _D:(r + 1) * _D]
    sl2_ref[...] = res[:, _R * _D:]


def _comb_body(acc_ref, sl_ref, out_ref):
    y = jnp.maximum(acc_ref[...] + sl_ref[...], 0.0)
    out_ref[...] = jnp.sum(y, axis=0, keepdims=True)[None]


def _head_body(p_ref, wc_ref, bc_ref, out_ref):
    hg = jnp.sum(p_ref[..., 0, :], axis=0, keepdims=True) * (1.0 / _N)
    logits = jnp.dot(hg, wc_ref[...],
                     preferred_element_type=jnp.float32) + bc_ref[...]
    out_ref[...] = jax.nn.softmax(logits, axis=1)


_WCOLS = _R * _D + _D

_mm1 = pl.pallas_call(
    _mm1_body,
    grid=(_GRID,),
    in_specs=[
        pl.BlockSpec((_RB, _D), lambda i: (i, 0)),
        pl.BlockSpec((_D, _WCOLS), lambda i: (0, 0)),
        pl.BlockSpec((1, _WCOLS), lambda i: (0, 0)),
    ],
    out_specs=[
        pl.BlockSpec((_R, _RB, _D), lambda i: (0, i, 0)),
        pl.BlockSpec((_RB, _D), lambda i: (i, 0)),
    ],
    out_shape=[
        jax.ShapeDtypeStruct((_R, _N, _D), jnp.float32),
        jax.ShapeDtypeStruct((_N, _D), jnp.float32),
    ],
)

_mm2 = pl.pallas_call(
    _mm2_body,
    grid=(_GRID,),
    in_specs=[
        pl.BlockSpec((_RB, _D), lambda i: (i, 0)),
        pl.BlockSpec((_RB, _D), lambda i: (i, 0)),
        pl.BlockSpec((_D, _WCOLS), lambda i: (0, 0)),
        pl.BlockSpec((1, _WCOLS), lambda i: (0, 0)),
    ],
    out_specs=[
        pl.BlockSpec((_R, _RB, _D), lambda i: (0, i, 0)),
        pl.BlockSpec((_RB, _D), lambda i: (i, 0)),
    ],
    out_shape=[
        jax.ShapeDtypeStruct((_R, _N, _D), jnp.float32),
        jax.ShapeDtypeStruct((_N, _D), jnp.float32),
    ],
)

_comb = pl.pallas_call(
    _comb_body,
    grid=(_GRID,),
    in_specs=[
        pl.BlockSpec((_RB, _D), lambda i: (i, 0)),
        pl.BlockSpec((_RB, _D), lambda i: (i, 0)),
    ],
    out_specs=pl.BlockSpec((1, 1, _D), lambda i: (i, 0, 0)),
    out_shape=jax.ShapeDtypeStruct((_GRID, 1, _D), jnp.float32),
)

_head = pl.pallas_call(
    _head_body,
    out_shape=jax.ShapeDtypeStruct((1, _C), jnp.float32),
)


def kernel(h, edge_index, rel_types, W1, loop1, b1, W2, loop2, b2, Wc, bc):
    src = edge_index[0].astype(jnp.int32)
    dst = edge_index[1].astype(jnp.int32)
    rel = rel_types.astype(jnp.int32)
    idx = rel * _N + src
    pad = _EPAD - _E
    pidx = jnp.arange(pad, dtype=jnp.int32)
    idx = jnp.concatenate([idx, pidx % (_R * _N)])
    dstp = jnp.concatenate([dst, _N + (pidx % (_AROWS - _N))])

    wbig1 = jnp.concatenate(
        [W1.transpose(1, 0, 2).reshape(_D, _R * _D), loop1], axis=1)
    bbig1 = jnp.concatenate(
        [jnp.zeros((_R * _D,), jnp.float32), b1]).reshape(1, _WCOLS)
    wbig2 = jnp.concatenate(
        [W2.transpose(1, 0, 2).reshape(_D, _R * _D), loop2], axis=1)
    bbig2 = jnp.concatenate(
        [jnp.zeros((_R * _D,), jnp.float32), b2]).reshape(1, _WCOLS)

    tbl1, sl1 = _mm1(h, wbig1, bbig1)
    acc1 = _sc_segsum(tbl1.reshape(_R * _N, _D), idx, dstp)
    tbl2, sl2 = _mm2(acc1, sl1, wbig2, bbig2)
    acc2 = _sc_segsum(tbl2.reshape(_R * _N, _D), idx, dstp)
    part = _comb(acc2, sl2)
    return _head(part, Wc, bc.reshape(1, _C))

# --- scband reference (transcript-rebuilt; emitter-appended) ---
"""Pipeline reference for scband-classifier-41927470744090 (READ-ONLY COPY).

The authoritative reference and input builder live on the scoring server;
editing this copy changes nothing except your own understanding.
"""

import jax, jax.numpy as jnp
import numpy as np

N_NODES = 10000
N_EDGES = 320000
IN_DIM = 128
HID = 128
N_CLASSES = 16
N_RELS = 8


def setup_inputs(seed: int = 0) -> dict:
    key = jax.random.key(seed)
    ks = jax.random.split(key, 12)
    h = jax.random.normal(ks[0], (N_NODES, IN_DIM), dtype=jnp.float32)
    edge_index = jax.random.randint(ks[1], (2, N_EDGES), 0, N_NODES, dtype=jnp.int64)
    rel_types = jax.random.randint(ks[2], (N_EDGES,), 0, N_RELS, dtype=jnp.int64)
    s1 = 1.0 / np.sqrt(IN_DIM)
    s2 = 1.0 / np.sqrt(HID)
    W1 = jax.random.normal(ks[3], (N_RELS, IN_DIM, HID), dtype=jnp.float32) * s1
    loop1 = jax.random.normal(ks[4], (IN_DIM, HID), dtype=jnp.float32) * s1
    b1 = jnp.zeros((HID,), dtype=jnp.float32)
    W2 = jax.random.normal(ks[5], (N_RELS, HID, HID), dtype=jnp.float32) * s2
    loop2 = jax.random.normal(ks[6], (HID, HID), dtype=jnp.float32) * s2
    b2 = jnp.zeros((HID,), dtype=jnp.float32)
    Wc = jax.random.normal(ks[7], (HID, N_CLASSES), dtype=jnp.float32) * s2
    bc = jnp.zeros((N_CLASSES,), dtype=jnp.float32)
    return {"h": h, "edge_index": edge_index, "rel_types": rel_types,
            "W1": W1, "loop1": loop1, "b1": b1,
            "W2": W2, "loop2": loop2, "b2": b2,
            "Wc": Wc, "bc": bc}


def _rel_graph_conv(h, src, dst, rel, W, Wloop, b, n_nodes):
    # per-relation transform of all node features: [N, R, out]
    xw = jnp.einsum('ni,rio->nro', h, W)
    # message on each edge: W_{rel_e} h_{src_e}
    msg = xw[src, rel]
    # sum aggregation onto destination nodes (scatter-add)
    agg = jax.ops.segment_sum(msg, dst, num_segments=n_nodes)
    # self loop + bias
    return agg + h @ Wloop + b


def reference(h, edge_index, rel_types, W1, loop1, b1, W2, loop2, b2, Wc, bc):
    src = edge_index[0]
    dst = edge_index[1]
    x = jax.nn.relu(_rel_graph_conv(h, src, dst, rel_types, W1, loop1, b1, N_NODES))
    x = jax.nn.relu(_rel_graph_conv(x, src, dst, rel_types, W2, loop2, b2, N_NODES))
    # dgl.mean_nodes over a single graph -> mean over all nodes, batch dim 1
    hg = jnp.mean(x, axis=0, keepdims=True)
    logits = hg @ Wc + bc
    return jax.nn.softmax(logits, axis=1)

if __name__ == "__main__":
    import jax
    _d = setup_inputs()
    print(jax.jit(kernel)(*tuple(_d.values())))

</pallas_src>

<mosaic_0001>
#map = affine_map<(d0, d1) -> (0, 0)>
#map1 = affine_map<(d0, d1) -> (0)>
module attributes {stable_mosaic.version = 14 : i64} {
  func.func @_sc_body(%arg0: i32, %arg1: i32, %arg2: memref<80000x128xf32, #tpu.memory_space<hbm>>, %arg3: memref<327680xi32, #tpu.memory_space<hbm>>, %arg4: memref<327680xi32, #tpu.memory_space<hbm>>, %arg5: memref<10240x128xf32, #tpu.memory_space<hbm>>, %arg6: memref<128xi32, #tpu.memory_space<vmem>>, %arg7: memref<128xi32, #tpu.memory_space<vmem>>, %arg8: memref<128xi32, #tpu.memory_space<vmem>>, %arg9: memref<128xi32, #tpu.memory_space<vmem>>, %arg10: memref<128xi32, #tpu.memory_space<vmem>>, %arg11: memref<128xi32, #tpu.memory_space<vmem>>, %arg12: memref<128xi32, #tpu.memory_space<vmem>>, %arg13: memref<128xi32, #tpu.memory_space<vmem>>, %arg14: memref<128x128xf32, #tpu.memory_space<vmem>>, %arg15: memref<128x128xf32, #tpu.memory_space<vmem>>, %arg16: memref<10240x128xf32, #tpu.memory_space<vmem_shared>>, %arg17: memref<!tpu.dma_semaphore, #tpu.memory_space<semaphore_mem>>, %arg18: memref<!tpu.dma_semaphore, #tpu.memory_space<semaphore_mem>>, %arg19: memref<!tpu.dma_semaphore, #tpu.memory_space<semaphore_mem>>, %arg20: memref<!tpu.dma_semaphore, #tpu.memory_space<semaphore_mem>>, %arg21: memref<!tpu.dma_semaphore, #tpu.memory_space<semaphore_mem>>, %arg22: memref<!tpu.dma_semaphore, #tpu.memory_space<semaphore_mem>>, %arg23: memref<!tpu.dma_semaphore, #tpu.memory_space<semaphore_mem>>, %arg24: memref<!tpu.dma_semaphore, #tpu.memory_space<semaphore_mem>>) attributes {dimension_semantics = [#tpu.dimension_semantics<core_parallel>, #tpu.dimension_semantics<subcore_parallel>], iteration_bounds = array<i64: 2, 16>, scalar_prefetch = 0 : i64, scratch_operands = 19 : i64, tpu.core_type = #tpu.core_type<sc_vector_subcore>, window_params = [{transform_indices = #map}, {transform_indices = #map1}, {transform_indices = #map1}, {transform_indices = #map}]} {
    %mul3A = arith.constant 20480 : i32
    %mul3A_0 = arith.muli %arg1, %mul3A : i32
    %eq3A = arith.constant 0 : i32
    %eq3A_1 = arith.cmpi eq, %arg0, %eq3A : i32
    %convert_element_type3A = arith.extui %eq3A_1 : i1 to i32
    %cond3A = arith.constant 0 : i32
    %cond3A_2 = arith.cmpi ne, %convert_element_type3A, %cond3A : i32
    scf.if %cond3A_2 {
      %scan3A = arith.constant 0 : i32
      %scan3A_3 = arith.constant 0 : i32
      %scan3A_4 = arith.constant 128 : i32
      %scan3A_5 = arith.addi %scan3A_3, %scan3A_4 : i32
      %scan3A_6 = arith.constant 1 : i32
      scf.for %scan3A_65 = %scan3A_3 to %scan3A_5 step %scan3A_6  : i32 {
        %broadcast_in_dim3A = arith.constant 0.000000e+00 : f32
        %broadcast_in_dim3A_66 = vector.broadcast %broadcast_in_dim3A : f32 to vector<16xf32>
        %swap3A = arith.index_cast %scan3A_65 : i32 to index
        %swap3A_67 = arith.constant 0 : index
        %swap3A_68 = tpu.vector_load %arg14[%swap3A, %swap3A_67] {strides = array<i32>} : memref<128x128xf32, #tpu.memory_space<vmem>>, vector<1x16xf32>,
        %swap3A_69 = vector.shape_cast %swap3A_68 : vector<1x16xf32> to vector<16xf32>
        %swap3A_70 = vector.shape_cast %broadcast_in_dim3A_66 : vector<16xf32> to vector<1x16xf32>
        tpu.vector_store %arg14[%swap3A, %swap3A_67], %swap3A_70 {strides = array<i32>} : memref<128x128xf32, #tpu.memory_space<vmem>>, vector<1x16xf32>,
        %broadcast_in_dim3A_71 = arith.constant 0.000000e+00 : f32
        %broadcast_in_dim3A_72 = vector.broadcast %broadcast_in_dim3A_71 : f32 to vector<16xf32>
        %swap3A_73 = arith.index_cast %scan3A_65 : i32 to index
        %swap3A_74 = arith.constant 16 : index
        %swap3A_75 = tpu.vector_load %arg14[%swap3A_73, %swap3A_74] {strides = array<i32>} : memref<128x128xf32, #tpu.memory_space<vmem>>, vector<1x16xf32>,
        %swap3A_76 = vector.shape_cast %swap3A_75 : vector<1x16xf32> to vector<16xf32>
        %swap3A_77 = vector.shape_cast %broadcast_in_dim3A_72 : vector<16xf32> to vector<1x16xf32>
        tpu.vector_store %arg14[%swap3A_73, %swap3A_74], %swap3A_77 {strides = array<i32>} : memref<128x128xf32, #tpu.memory_space<vmem>>, vector<1x16xf32>,
        %broadcast_in_dim3A_78 = arith.constant 0.000000e+00 : f32
        %broadcast_in_dim3A_79 = vector.broadcast %broadcast_in_dim3A_78 : f32 to vector<16xf32>
        %swap3A_80 = arith.index_cast %scan3A_65 : i32 to index
        %swap3A_81 = arith.constant 32 : index
        %swap3A_82 = tpu.vector_load %arg14[%swap3A_80, %swap3A_81] {strides = array<i32>} : memref<128x128xf32, #tpu.memory_space<vmem>>, vector<1x16xf32>,
        %swap3A_83 = vector.shape_cast %swap3A_82 : vector<1x16xf32> to vector<16xf32>
        %swap3A_84 = vector.shape_cast %broadcast_in_dim3A_79 : vector<16xf32> to vector<1x16xf32>
        tpu.vector_store %arg14[%swap3A_80, %swap3A_81], %swap3A_84 {strides = array<i32>} : memref<128x128xf32, #tpu.memory_space<vmem>>, vector<1x16xf32>,
        %broadcast_in_dim3A_85 = arith.constant 0.000000e+00 : f32
        %broadcast_in_dim3A_86 = vector.broadcast %broadcast_in_dim3A_85 : f32 to vector<16xf32>
        %swap3A_87 = arith.index_cast %scan3A_65 : i32 to index
        %swap3A_88 = arith.constant 48 : index
        %swap3A_89 = tpu.vector_load %arg14[%swap3A_87, %swap3A_88] {strides = array<i32>} : memref<128x128xf32, #tpu.memory_space<vmem>>, vector<1x16xf32>,
        %swap3A_90 = vector.shape_cast %swap3A_89 : vector<1x16xf32> to vector<16xf32>
        %swap3A_91 = vector.shape_cast %broadcast_in_dim3A_86 : vector<16xf32> to vector<1x16xf32>
        tpu.vector_store %arg14[%swap3A_87, %swap3A_88], %swap3A_91 {strides = array<i32>} : memref<128x128xf32, #tpu.memory_space<vmem>>, vector<1x16xf32>,
        %broadcast_in_dim3A_92 = arith.constant 0.000000e+00 : f32
        %broadcast_in_dim3A_93 = vector.broadcast %broadcast_in_dim3A_92 : f32 to vector<16xf32>
        %swap3A_94 = arith.index_cast %scan3A_65 : i32 to index
        %swap3A_95 = arith.constant 64 : index
        %swap3A_96 = tpu.vector_load %arg14[%swap3A_94, %swap3A_95] {strides = array<i32>} : memref<128x128xf32, #tpu.memory_space<vmem>>, vector<1x16xf32>,
        %swap3A_97 = vector.shape_cast %swap3A_96 : vector<1x16xf32> to vector<16xf32>
        %swap3A_98 = vector.shape_cast %broadcast_in_dim3A_93 : vector<16xf32> to vector<1x16xf32>
        tpu.vector_store %arg14[%swap3A_94, %swap3A_95], %swap3A_98 {strides = array<i32>} : memref<128x128xf32, #tpu.memory_space<vmem>>, vector<1x16xf32>,
        %broadcast_in_dim3A_99 = arith.constant 0.000000e+00 : f32
        %broadcast_in_dim3A_100 = vector.broadcast %broadcast_in_dim3A_99 : f32 to vector<16xf32>
        %swap3A_101 = arith.index_cast %scan3A_65 : i32 to index
        %swap3A_102 = arith.constant 80 : index
        %swap3A_103 = tpu.vector_load %arg14[%swap3A_101, %swap3A_102] {strides = array<i32>} : memref<128x128xf32, #tpu.memory_space<vmem>>, vector<1x16xf32>,
        %swap3A_104 = vector.shape_cast %swap3A_103 : vector<1x16xf32> to vector<16xf32>
        %swap3A_105 = vector.shape_cast %broadcast_in_dim3A_100 : vector<16xf32> to vector<1x16xf32>
        tpu.vector_store %arg14[%swap3A_101, %swap3A_102], %swap3A_105 {strides = array<i32>} : memref<128x128xf32, #tpu.memory_space<vmem>>, vector<1x16xf32>,
        %broadcast_in_dim3A_106 = arith.constant 0.000000e+00 : f32
        %broadcast_in_dim3A_107 = vector.broadcast %broadcast_in_dim3A_106 : f32 to vector<16xf32>
        %swap3A_108 = arith.index_cast %scan3A_65 : i32 to index
        %swap3A_109 = arith.constant 96 : index
        %swap3A_110 = tpu.vector_load %arg14[%swap3A_108, %swap3A_109] {strides = array<i32>} : memref<128x128xf32, #tpu.memory_space<vmem>>, vector<1x16xf32>,
        %swap3A_111 = vector.shape_cast %swap3A_110 : vector<1x16xf32> to vector<16xf32>
        %swap3A_112 = vector.shape_cast %broadcast_in_dim3A_107 : vector<16xf32> to vector<1x16xf32>
        tpu.vector_store %arg14[%swap3A_108, %swap3A_109], %swap3A_112 {strides = array<i32>} : memref<128x128xf32, #tpu.memory_space<vmem>>, vector<1x16xf32>,
        %broadcast_in_dim3A_113 = arith.constant 0.000000e+00 : f32
        %broadcast_in_dim3A_114 = vector.broadcast %broadcast_in_dim3A_113 : f32 to vector<16xf32>
        %swap3A_115 = arith.index_cast %scan3A_65 : i32 to index
        %swap3A_116 = arith.constant 112 : index
        %swap3A_117 = tpu.vector_load %arg14[%swap3A_115, %swap3A_116] {strides = array<i32>} : memref<128x128xf32, #tpu.memory_space<vmem>>, vector<1x16xf32>,
        %swap3A_118 = vector.shape_cast %swap3A_117 : vector<1x16xf32> to vector<16xf32>
        %swap3A_119 = vector.shape_cast %broadcast_in_dim3A_114 : vector<16xf32> to vector<1x16xf32>
        tpu.vector_store %arg14[%swap3A_115, %swap3A_116], %swap3A_119 {strides = array<i32>} : memref<128x128xf32, #tpu.memory_space<vmem>>, vector<1x16xf32>,
      }
      %scan3A_7 = arith.constant 128 : i32
      %mul3A_8 = arith.constant 640 : i32
      %mul3A_9 = arith.muli %arg1, %mul3A_8 : i32
      %add3A = arith.constant 0 : i32
      %add3A_10 = arith.addi %mul3A_9, %add3A : i32
      "tpu.region"() ({
        %run_scoped3A = tpu.sem_alloc : memref<!tpu.dma_semaphore, #tpu.memory_space<semaphore_mem>>
        %dma_start3A_65 = arith.constant 0 : i32
        %dma_start3A_66 = tpu.memref_slice %arg16[%add3A_10, %dma_start3A_65] : memref<10240x128xf32, #tpu.memory_space<vmem_shared>> -> memref<128x128xf32, #tpu.memory_space<vmem_shared>>
        %dma_start3A_67 = arith.constant 0 : i32
        %dma_start3A_68 = tpu.memref_slice %arg16[%add3A_10, %dma_start3A_67] : memref<10240x128xf32, #tpu.memory_space<vmem_shared>> -> memref<128x128xf32, #tpu.memory_space<vmem_shared>>
        tpu.enqueue_dma source(%arg14 : memref<128x128xf32, #tpu.memory_space<vmem>>) target(%dma_start3A_68 : memref<128x128xf32, #tpu.memory_space<vmem_shared>>) target_semaphore(%run_scoped3A : memref<!tpu.dma_semaphore, #tpu.memory_space<semaphore_mem>>)
        %dma_wait3A_69 = arith.constant 0 : i32
        %dma_wait3A_70 = tpu.memref_slice %arg16[%add3A_10, %dma_wait3A_69] : memref<10240x128xf32, #tpu.memory_space<vmem_shared>> -> memref<128x128xf32, #tpu.memory_space<vmem_shared>>
        %dma_wait3A_71 = arith.constant 0 : i32
        %dma_wait3A_72 = tpu.memref_slice %arg16[%add3A_10, %dma_wait3A_71] : memref<10240x128xf32, #tpu.memory_space<vmem_shared>> -> memref<128x128xf32, #tpu.memory_space<vmem_shared>>
        tpu.wait_dma2 semaphore(%run_scoped3A : memref<!tpu.dma_semaphore, #tpu.memory_space<semaphore_mem>>) src(%arg14 : memref<128x128xf32, #tpu.memory_space<vmem>>) dst(%dma_wait3A_72 : memref<128x128xf32, #tpu.memory_space<vmem_shared>>)
        tpu.yield
      }) : () -> ()
      %mul3A_11 = arith.constant 640 : i32
      %mul3A_12 = arith.muli %arg1, %mul3A_11 : i32
      %add3A_13 = arith.constant 128 : i32
      %add3A_14 = arith.addi %mul3A_12, %add3A_13 : i32
      "tpu.region"() ({
        %run_scoped3A = tpu.sem_alloc : memref<!tpu.dma_semaphore, #tpu.memory_space<semaphore_mem>>
        %dma_start3A_65 = arith.constant 0 : i32
        %dma_start3A_66 = tpu.memref_slice %arg16[%add3A_14, %dma_start3A_65] : memref<10240x128xf32, #tpu.memory_space<vmem_shared>> -> memref<128x128xf32, #tpu.memory_space<vmem_shared>>
        %dma_start3A_67 = arith.constant 0 : i32
        %dma_start3A_68 = tpu.memref_slice %arg16[%add3A_14, %dma_start3A_67] : memref<10240x128xf32, #tpu.memory_space<vmem_shared>> -> memref<128x128xf32, #tpu.memory_space<vmem_shared>>
        tpu.enqueue_dma source(%arg14 : memref<128x128xf32, #tpu.memory_space<vmem>>) target(%dma_start3A_68 : memref<128x128xf32, #tpu.memory_space<vmem_shared>>) target_semaphore(%run_scoped3A : memref<!tpu.dma_semaphore, #tpu.memory_space<semaphore_mem>>)
        %dma_wait3A_69 = arith.constant 0 : i32
        %dma_wait3A_70 = tpu.memref_slice %arg16[%add3A_14, %dma_wait3A_69] : memref<10240x128xf32, #tpu.memory_space<vmem_shared>> -> memref<128x128xf32, #tpu.memory_space<vmem_shared>>
        %dma_wait3A_71 = arith.constant 0 : i32
        %dma_wait3A_72 = tpu.memref_slice %arg16[%add3A_14, %dma_wait3A_71] : memref<10240x128xf32, #tpu.memory_space<vmem_shared>> -> memref<128x128xf32, #tpu.memory_space<vmem_shared>>
        tpu.wait_dma2 semaphore(%run_scoped3A : memref<!tpu.dma_semaphore, #tpu.memory_space<semaphore_mem>>) src(%arg14 : memref<128x128xf32, #tpu.memory_space<vmem>>) dst(%dma_wait3A_72 : memref<128x128xf32, #tpu.memory_space<vmem_shared>>)
        tpu.yield
      }) : () -> ()
      %mul3A_15 = arith.constant 640 : i32
      %mul3A_16 = arith.muli %arg1, %mul3A_15 : i32
      %add3A_17 = arith.constant 256 : i32
      %add3A_18 = arith.addi %mul3A_16, %add3A_17 : i32
      "tpu.region"() ({
        %run_scoped3A = tpu.sem_alloc : memref<!tpu.dma_semaphore, #tpu.memory_space<semaphore_mem>>
        %dma_start3A_65 = arith.constant 0 : i32
        %dma_start3A_66 = tpu.memref_slice %arg16[%add3A_18, %dma_start3A_65] : memref<10240x128xf32, #tpu.memory_space<vmem_shared>> -> memref<128x128xf32, #tpu.memory_space<vmem_shared>>
        %dma_start3A_67 = arith.constant 0 : i32
        %dma_start3A_68 = tpu.memref_slice %arg16[%add3A_18, %dma_start3A_67] : memref<10240x128xf32, #tpu.memory_space<vmem_shared>> -> memref<128x128xf32, #tpu.memory_space<vmem_shared>>
        tpu.enqueue_dma source(%arg14 : memref<128x128xf32, #tpu.memory_space<vmem>>) target(%dma_start3A_68 : memref<128x128xf32, #tpu.memory_space<vmem_shared>>) target_semaphore(%run_scoped3A : memref<!tpu.dma_semaphore, #tpu.memory_space<semaphore_mem>>)
        %dma_wait3A_69 = arith.constant 0 : i32
        %dma_wait3A_70 = tpu.memref_slice %arg16[%add3A_18, %dma_wait3A_69] : memref<10240x128xf32, #tpu.memory_space<vmem_shared>> -> memref<128x128xf32, #tpu.memory_space<vmem_shared>>
        %dma_wait3A_71 = arith.constant 0 : i32
        %dma_wait3A_72 = tpu.memref_slice %arg16[%add3A_18, %dma_wait3A_71] : memref<10240x128xf32, #tpu.memory_space<vmem_shared>> -> memref<128x128xf32, #tpu.memory_space<vmem_shared>>
        tpu.wait_dma2 semaphore(%run_scoped3A : memref<!tpu.dma_semaphore, #tpu.memory_space<semaphore_mem>>) src(%arg14 : memref<128x128xf32, #tpu.memory_space<vmem>>) dst(%dma_wait3A_72 : memref<128x128xf32, #tpu.memory_space<vmem_shared>>)
        tpu.yield
      }) : () -> ()
      %mul3A_19 = arith.constant 640 : i32
      %mul3A_20 = arith.muli %arg1, %mul3A_19 : i32
      %add3A_21 = arith.constant 384 : i32
      %add3A_22 = arith.addi %mul3A_20, %add3A_21 : i32
      "tpu.region"() ({
        %run_scoped3A = tpu.sem_alloc : memref<!tpu.dma_semaphore, #tpu.memory_space<semaphore_mem>>
        %dma_start3A_65 = arith.constant 0 : i32
        %dma_start3A_66 = tpu.memref_slice %arg16[%add3A_22, %dma_start3A_65] : memref<10240x128xf32, #tpu.memory_space<vmem_shared>> -> memref<128x128xf32, #tpu.memory_space<vmem_shared>>
        %dma_start3A_67 = arith.constant 0 : i32
        %dma_start3A_68 = tpu.memref_slice %arg16[%add3A_22, %dma_start3A_67] : memref<10240x128xf32, #tpu.memory_space<vmem_shared>> -> memref<128x128xf32, #tpu.memory_space<vmem_shared>>
        tpu.enqueue_dma source(%arg14 : memref<128x128xf32, #tpu.memory_space<vmem>>) target(%dma_start3A_68 : memref<128x128xf32, #tpu.memory_space<vmem_shared>>) target_semaphore(%run_scoped3A : memref<!tpu.dma_semaphore, #tpu.memory_space<semaphore_mem>>)
        %dma_wait3A_69 = arith.constant 0 : i32
        %dma_wait3A_70 = tpu.memref_slice %arg16[%add3A_22, %dma_wait3A_69] : memref<10240x128xf32, #tpu.memory_space<vmem_shared>> -> memref<128x128xf32, #tpu.memory_space<vmem_shared>>
        %dma_wait3A_71 = arith.constant 0 : i32
        %dma_wait3A_72 = tpu.memref_slice %arg16[%add3A_22, %dma_wait3A_71] : memref<10240x128xf32, #tpu.memory_space<vmem_shared>> -> memref<128x128xf32, #tpu.memory_space<vmem_shared>>
        tpu.wait_dma2 semaphore(%run_scoped3A : memref<!tpu.dma_semaphore, #tpu.memory_space<semaphore_mem>>) src(%arg14 : memref<128x128xf32, #tpu.memory_space<vmem>>) dst(%dma_wait3A_72 : memref<128x128xf32, #tpu.memory_space<vmem_shared>>)
        tpu.yield
      }) : () -> ()
      %mul3A_23 = arith.constant 640 : i32
      %mul3A_24 = arith.muli %arg1, %mul3A_23 : i32
      %add3A_25 = arith.constant 512 : i32
      %add3A_26 = arith.addi %mul3A_24, %add3A_25 : i32
      "tpu.region"() ({
        %run_scoped3A = tpu.sem_alloc : memref<!tpu.dma_semaphore, #tpu.memory_space<semaphore_mem>>
        %dma_start3A_65 = arith.constant 0 : i32
        %dma_start3A_66 = tpu.memref_slice %arg16[%add3A_26, %dma_start3A_65] : memref<10240x128xf32, #tpu.memory_space<vmem_shared>> -> memref<128x128xf32, #tpu.memory_space<vmem_shared>>
        %dma_start3A_67 = arith.constant 0 : i32
        %dma_start3A_68 = tpu.memref_slice %arg16[%add3A_26, %dma_start3A_67] : memref<10240x128xf32, #tpu.memory_space<vmem_shared>> -> memref<128x128xf32, #tpu.memory_space<vmem_shared>>
        tpu.enqueue_dma source(%arg14 : memref<128x128xf32, #tpu.memory_space<vmem>>) target(%dma_start3A_68 : memref<128x128xf32, #tpu.memory_space<vmem_shared>>) target_semaphore(%run_scoped3A : memref<!tpu.dma_semaphore, #tpu.memory_space<semaphore_mem>>)
        %dma_wait3A_69 = arith.constant 0 : i32
        %dma_wait3A_70 = tpu.memref_slice %arg16[%add3A_26, %dma_wait3A_69] : memref<10240x128xf32, #tpu.memory_space<vmem_shared>> -> memref<128x128xf32, #tpu.memory_space<vmem_shared>>
        %dma_wait3A_71 = arith.constant 0 : i32
        %dma_wait3A_72 = tpu.memref_slice %arg16[%add3A_26, %dma_wait3A_71] : memref<10240x128xf32, #tpu.memory_space<vmem_shared>> -> memref<128x128xf32, #tpu.memory_space<vmem_shared>>
        tpu.wait_dma2 semaphore(%run_scoped3A : memref<!tpu.dma_semaphore, #tpu.memory_space<semaphore_mem>>) src(%arg14 : memref<128x128xf32, #tpu.memory_space<vmem>>) dst(%dma_wait3A_72 : memref<128x128xf32, #tpu.memory_space<vmem_shared>>)
        tpu.yield
      }) : () -> ()
      %barrier3A = arith.constant 0 : index
      tpu.barrier barrier_id(%barrier3A)
      %add3A_27 = arith.constant 0 : i32
      %add3A_28 = arith.addi %mul3A_0, %add3A_27 : i32
      %dma_start3A = tpu.memref_slice %arg3[%add3A_28] : memref<327680xi32, #tpu.memory_space<hbm>> -> memref<128xi32, #tpu.memory_space<hbm>>
      %dma_start3A_29 = tpu.memref_slice %arg3[%add3A_28] : memref<327680xi32, #tpu.memory_space<hbm>> -> memref<128xi32, #tpu.memory_space<hbm>>
      tpu.enqueue_dma source(%dma_start3A_29 : memref<128xi32, #tpu.memory_space<hbm>>) target(%arg6 : memref<128xi32, #tpu.memory_space<vmem>>) target_semaphore(%arg17 : memref<!tpu.dma_semaphore, #tpu.memory_space<semaphore_mem>>)
      %dma_start3A_30 = tpu.memref_slice %arg4[%add3A_28] : memref<327680xi32, #tpu.memory_space<hbm>> -> memref<128xi32, #tpu.memory_space<hbm>>
      %dma_start3A_31 = tpu.memref_slice %arg4[%add3A_28] : memref<327680xi32, #tpu.memory_space<hbm>> -> memref<128xi32, #tpu.memory_space<hbm>>
      tpu.enqueue_dma source(%dma_start3A_31 : memref<128xi32, #tpu.memory_space<hbm>>) target(%arg10 : memref<128xi32, #tpu.memory_space<vmem>>) target_semaphore(%arg17 : memref<!tpu.dma_semaphore, #tpu.memory_space<semaphore_mem>>)
      %add3A_32 = arith.constant 128 : i32
      %add3A_33 = arith.addi %mul3A_0, %add3A_32 : i32
      %dma_start3A_34 = tpu.memref_slice %arg3[%add3A_33] : memref<327680xi32, #tpu.memory_space<hbm>> -> memref<128xi32, #tpu.memory_space<hbm>>
      %dma_start3A_35 = tpu.memref_slice %arg3[%add3A_33] : memref<327680xi32, #tpu.memory_space<hbm>> -> memref<128xi32, #tpu.memory_space<hbm>>
      tpu.enqueue_dma source(%dma_start3A_35 : memref<128xi32, #tpu.memory_space<hbm>>) target(%arg7 : memref<128xi32, #tpu.memory_space<vmem>>) target_semaphore(%arg18 : memref<!tpu.dma_semaphore, #tpu.memory_space<semaphore_mem>>)
      %dma_start3A_36 = tpu.memref_slice %arg4[%add3A_33] : memref<327680xi32, #tpu.memory_space<hbm>> -> memref<128xi32, #tpu.memory_space<hbm>>
      %dma_start3A_37 = tpu.memref_slice %arg4[%add3A_33] : memref<327680xi32, #tpu.memory_space<hbm>> -> memref<128xi32, #tpu.memory_space<hbm>>
      tpu.enqueue_dma source(%dma_start3A_37 : memref<128xi32, #tpu.memory_space<hbm>>) target(%arg11 : memref<128xi32, #tpu.memory_space<vmem>>) target_semaphore(%arg18 : memref<!tpu.dma_semaphore, #tpu.memory_space<semaphore_mem>>)
      %dma_wait3A = arith.constant 0 : i32
      %dma_wait3A_38 = tpu.memref_slice %arg3[%dma_wait3A] : memref<327680xi32, #tpu.memory_space<hbm>> -> memref<128xi32, #tpu.memory_space<hbm>>
      %dma_wait3A_39 = arith.constant 0 : i32
      %dma_wait3A_40 = tpu.memref_slice %arg3[%dma_wait3A_39] : memref<327680xi32, #tpu.memory_space<hbm>> -> memref<128xi32, #tpu.memory_space<hbm>>
      tpu.wait_dma2 semaphore(%arg17 : memref<!tpu.dma_semaphore, #tpu.memory_space<semaphore_mem>>) src(%dma_wait3A_40 : memref<128xi32, #tpu.memory_space<hbm>>) dst(%arg6 : memref<128xi32, #tpu.memory_space<vmem>>)
      %dma_wait3A_41 = arith.constant 0 : i32
      %dma_wait3A_42 = tpu.memref_slice %arg4[%dma_wait3A_41] : memref<327680xi32, #tpu.memory_space<hbm>> -> memref<128xi32, #tpu.memory_space<hbm>>
      %dma_wait3A_43 = arith.constant 0 : i32
      %dma_wait3A_44 = tpu.memref_slice %arg4[%dma_wait3A_43] : memref<327680xi32, #tpu.memory_space<hbm>> -> memref<128xi32, #tpu.memory_space<hbm>>
      tpu.wait_dma2 semaphore(%arg17 : memref<!tpu.dma_semaphore, #tpu.memory_space<semaphore_mem>>) src(%dma_wait3A_44 : memref<128xi32, #tpu.memory_space<hbm>>) dst(%arg10 : memref<128xi32, #tpu.memory_space<vmem>>)
      %dma_start3A_45 = arith.constant 0 : i32
      %dma_start3A_46 = arith.constant 0 : i32
      %dma_start3A_47 = tpu.memref_slice %arg2[%dma_start3A_45, %dma_start3A_46] : memref<80000x128xf32, #tpu.memory_space<hbm>> -> memref<80000x128xf32, #tpu.memory_space<hbm>>
      tpu.enqueue_indirect_dma source(%dma_start3A_47 : memref<80000x128xf32, #tpu.memory_space<hbm>>) target(%arg14 : memref<128x128xf32, #tpu.memory_space<vmem>>) offsets(%arg6 : memref<128xi32, #tpu.memory_space<vmem>>) semaphore(%arg21 : memref<!tpu.dma_semaphore, #tpu.memory_space<semaphore_mem>>)
      %scan3A_48 = arith.constant 0 : i32
      %scan3A_49 = arith.constant 0 : i32
      %scan3A_50 = arith.constant 40 : i32
      %scan3A_51 = arith.addi %scan3A_49, %scan3A_50 : i32
      %scan3A_52 = arith.constant 1 : i32
      scf.for %scan3A_65 = %scan3A_49 to %scan3A_51 step %scan3A_52  : i32 {
        %mul3A_66 = arith.constant 4 : i32
        %mul3A_67 = arith.muli %mul3A_66, %scan3A_65 : i32
        %add3A_68 = arith.constant 0 : i32
        %add3A_69 = arith.addi %mul3A_67, %add3A_68 : i32
        %add3A_70 = arith.constant 2 : i32
        %add3A_71 = arith.addi %add3A_69, %add3A_70 : i32
        %mul3A_72 = arith.constant 128 : i32
        %mul3A_73 = arith.muli %add3A_71, %mul3A_72 : i32
        %add3A_74 = arith.addi %mul3A_0, %mul3A_73 : i32
        %dma_start3A_75 = tpu.memref_slice %arg3[%add3A_74] : memref<327680xi32, #tpu.memory_space<hbm>> -> memref<128xi32, #tpu.memory_space<hbm>>
        %dma_start3A_76 = tpu.memref_slice %arg3[%add3A_74] : memref<327680xi32, #tpu.memory_space<hbm>> -> memref<128xi32, #tpu.memory_space<hbm>>
        tpu.enqueue_dma source(%dma_start3A_76 : memref<128xi32, #tpu.memory_space<hbm>>) target(%arg8 : memref<128xi32, #tpu.memory_space<vmem>>) target_semaphore(%arg19 : memref<!tpu.dma_semaphore, #tpu.memory_space<semaphore_mem>>)
        %dma_start3A_77 = tpu.memref_slice %arg4[%add3A_74] : memref<327680xi32, #tpu.memory_space<hbm>> -> memref<128xi32, #tpu.memory_space<hbm>>
        %dma_start3A_78 = tpu.memref_slice %arg4[%add3A_74] : memref<327680xi32, #tpu.memory_space<hbm>> -> memref<128xi32, #tpu.memory_space<hbm>>
        tpu.enqueue_dma source(%dma_start3A_78 : memref<128xi32, #tpu.memory_space<hbm>>) target(%arg12 : memref<128xi32, #tpu.memory_space<vmem>>) target_semaphore(%arg19 : memref<!tpu.dma_semaphore, #tpu.memory_space<semaphore_mem>>)
        %gt3A = arith.constant 0 : i32
        %gt3A_79 = arith.cmpi sgt, %scan3A_65, %gt3A : i32
        %convert_element_type3A_80 = arith.extui %gt3A_79 : i1 to i32
        %cond3A_81 = arith.constant 0 : i32
        %cond3A_82 = arith.cmpi ne, %convert_element_type3A_80, %cond3A_81 : i32
        scf.if %cond3A_82 {
          %dma_wait3A_171 = arith.constant 0 : i32
          %dma_wait3A_172 = arith.constant 0 : i32
          %dma_wait3A_173 = tpu.memref_slice %arg16[%dma_wait3A_171, %dma_wait3A_172] : memref<10240x128xf32, #tpu.memory_space<vmem_shared>> -> memref<10240x128xf32, #tpu.memory_space<vmem_shared>>
          tpu.wait_indirect_dma semaphore(%arg24 : memref<!tpu.dma_semaphore, #tpu.memory_space<semaphore_mem>>) src(%arg15 : memref<128x128xf32, #tpu.memory_space<vmem>>) dst(%dma_wait3A_173 : memref<10240x128xf32, #tpu.memory_space<vmem_shared>>)
        } else {
        }
        %dma_wait3A_83 = arith.constant 0 : i32
        %dma_wait3A_84 = tpu.memref_slice %arg3[%dma_wait3A_83] : memref<327680xi32, #tpu.memory_space<hbm>> -> memref<128xi32, #tpu.memory_space<hbm>>
        %dma_wait3A_85 = arith.constant 0 : i32
        %dma_wait3A_86 = tpu.memref_slice %arg3[%dma_wait3A_85] : memref<327680xi32, #tpu.memory_space<hbm>> -> memref<128xi32, #tpu.memory_space<hbm>>
        tpu.wait_dma2 semaphore(%arg18 : memref<!tpu.dma_semaphore, #tpu.memory_space<semaphore_mem>>) src(%dma_wait3A_86 : memref<128xi32, #tpu.memory_space<hbm>>) dst(%arg7 : memref<128xi32, #tpu.memory_space<vmem>>)
        %dma_wait3A_87 = arith.constant 0 : i32
        %dma_wait3A_88 = tpu.memref_slice %arg4[%dma_wait3A_87] : memref<327680xi32, #tpu.memory_space<hbm>> -> memref<128xi32, #tpu.memory_space<hbm>>
        %dma_wait3A_89 = arith.constant 0 : i32
        %dma_wait3A_90 = tpu.memref_slice %arg4[%dma_wait3A_89] : memref<327680xi32, #tpu.memory_space<hbm>> -> memref<128xi32, #tpu.memory_space<hbm>>
        tpu.wait_dma2 semaphore(%arg18 : memref<!tpu.dma_semaphore, #tpu.memory_space<semaphore_mem>>) src(%dma_wait3A_90 : memref<128xi32, #tpu.memory_space<hbm>>) dst(%arg11 : memref<128xi32, #tpu.memory_space<vmem>>)
        %dma_start3A_91 = arith.constant 0 : i32
        %dma_start3A_92 = arith.constant 0 : i32
        %dma_start3A_93 = tpu.memref_slice %arg2[%dma_start3A_91, %dma_start3A_92] : memref<80000x128xf32, #tpu.memory_space<hbm>> -> memref<80000x128xf32, #tpu.memory_space<hbm>>
        tpu.enqueue_indirect_dma source(%dma_start3A_93 : memref<80000x128xf32, #tpu.memory_space<hbm>>) target(%arg15 : memref<128x128xf32, #tpu.memory_space<vmem>>) offsets(%arg7 : memref<128xi32, #tpu.memory_space<vmem>>) semaphore(%arg22 : memref<!tpu.dma_semaphore, #tpu.memory_space<semaphore_mem>>)
        %dma_wait3A_94 = arith.constant 0 : i32
        %dma_wait3A_95 = arith.constant 0 : i32
        %dma_wait3A_96 = tpu.memref_slice %arg2[%dma_wait3A_94, %dma_wait3A_95] : memref<80000x128xf32, #tpu.memory_space<hbm>> -> memref<80000x128xf32, #tpu.memory_space<hbm>>
        tpu.wait_indirect_dma semaphore(%arg21 : memref<!tpu.dma_semaphore, #tpu.memory_space<semaphore_mem>>) src(%dma_wait3A_96 : memref<80000x128xf32, #tpu.memory_space<hbm>>) dst(%arg14 : memref<128x128xf32, #tpu.memory_space<vmem>>)
        %dma_start3A_97 = arith.constant 0 : i32
        %dma_start3A_98 = arith.constant 0 : i32
        %dma_start3A_99 = tpu.memref_slice %arg16[%dma_start3A_97, %dma_start3A_98] : memref<10240x128xf32, #tpu.memory_space<vmem_shared>> -> memref<10240x128xf32, #tpu.memory_space<vmem_shared>>
        tpu.enqueue_indirect_dma source(%arg14 : memref<128x128xf32, #tpu.memory_space<vmem>>) target(%dma_start3A_99 : memref<10240x128xf32, #tpu.memory_space<vmem_shared>>) offsets(%arg10 : memref<128xi32, #tpu.memory_space<vmem>>) semaphore(%arg23 : memref<!tpu.dma_semaphore, #tpu.memory_space<semaphore_mem>>) {add = true}
        %add3A_100 = arith.constant 1 : i32
        %add3A_101 = arith.addi %mul3A_67, %add3A_100 : i32
        %add3A_102 = arith.constant 2 : i32
        %add3A_103 = arith.addi %add3A_101, %add3A_102 : i32
        %mul3A_104 = arith.constant 128 : i32
        %mul3A_105 = arith.muli %add3A_103, %mul3A_104 : i32
        %add3A_106 = arith.addi %mul3A_0, %mul3A_105 : i32
        %dma_start3A_107 = tpu.memref_slice %arg3[%add3A_106] : memref<327680xi32, #tpu.memory_space<hbm>> -> memref<128xi32, #tpu.memory_space<hbm>>
        %dma_start3A_108 = tpu.memref_slice %arg3[%add3A_106] : memref<327680xi32, #tpu.memory_space<hbm>> -> memref<128xi32, #tpu.memory_space<hbm>>
        tpu.enqueue_dma source(%dma_start3A_108 : memref<128xi32, #tpu.memory_space<hbm>>) target(%arg9 : memref<128xi32, #tpu.memory_space<vmem>>) target_semaphore(%arg20 : memref<!tpu.dma_semaphore, #tpu.memory_space<semaphore_mem>>)
        %dma_start3A_109 = tpu.memref_slice %arg4[%add3A_106] : memref<327680xi32, #tpu.memory_space<hbm>> -> memref<128xi32, #tpu.memory_space<hbm>>
        %dma_start3A_110 = tpu.memref_slice %arg4[%add3A_106] : memref<327680xi32, #tpu.memory_space<hbm>> -> memref<128xi32, #tpu.memory_space<hbm>>
        tpu.enqueue_dma source(%dma_start3A_110 : memref<128xi32, #tpu.memory_space<hbm>>) target(%arg13 : memref<128xi32, #tpu.memory_space<vmem>>) target_semaphore(%arg20 : memref<!tpu.dma_semaphore, #tpu.memory_space<semaphore_mem>>)
        %dma_wait3A_111 = arith.constant 0 : i32
        %dma_wait3A_112 = arith.constant 0 : i32
        %dma_wait3A_113 = tpu.memref_slice %arg16[%dma_wait3A_111, %dma_wait3A_112] : memref<10240x128xf32, #tpu.memory_space<vmem_shared>> -> memref<10240x128xf32, #tpu.memory_space<vmem_shared>>
        tpu.wait_indirect_dma semaphore(%arg23 : memref<!tpu.dma_semaphore, #tpu.memory_space<semaphore_mem>>) src(%arg14 : memref<128x128xf32, #tpu.memory_space<vmem>>) dst(%dma_wait3A_113 : memref<10240x128xf32, #tpu.memory_space<vmem_shared>>)
        %dma_wait3A_114 = arith.constant 0 : i32
        %dma_wait3A_115 = tpu.memref_slice %arg3[%dma_wait3A_114] : memref<327680xi32, #tpu.memory_space<hbm>> -> memref<128xi32, #tpu.memory_space<hbm>>
        %dma_wait3A_116 = arith.constant 0 : i32
        %dma_wait3A_117 = tpu.memref_slice %arg3[%dma_wait3A_116] : memref<327680xi32, #tpu.memory_space<hbm>> -> memref<128xi32, #tpu.memory_space<hbm>>
        tpu.wait_dma2 semaphore(%arg19 : memref<!tpu.dma_semaphore, #tpu.memory_space<semaphore_mem>>) src(%dma_wait3A_117 : memref<128xi32, #tpu.memory_space<hbm>>) dst(%arg8 : memref<128xi32, #tpu.memory_space<vmem>>)
        %dma_wait3A_118 = arith.constant 0 : i32
        %dma_wait3A_119 = tpu.memref_slice %arg4[%dma_wait3A_118] : memref<327680xi32, #tpu.memory_space<hbm>> -> memref<128xi32, #tpu.memory_space<hbm>>
        %dma_wait3A_120 = arith.constant 0 : i32
        %dma_wait3A_121 = tpu.memref_slice %arg4[%dma_wait3A_120] : memref<327680xi32, #tpu.memory_space<hbm>> -> memref<128xi32, #tpu.memory_space<hbm>>
        tpu.wait_dma2 semaphore(%arg19 : memref<!tpu.dma_semaphore, #tpu.memory_space<semaphore_mem>>) src(%dma_wait3A_121 : memref<128xi32, #tpu.memory_space<hbm>>) dst(%arg12 : memref<128xi32, #tpu.memory_space<vmem>>)
        %dma_start3A_122 = arith.constant 0 : i32
        %dma_start3A_123 = arith.constant 0 : i32
        %dma_start3A_124 = tpu.memref_slice %arg2[%dma_start3A_122, %dma_start3A_123] : memref<80000x128xf32, #tpu.memory_space<hbm>> -> memref<80000x128xf32, #tpu.memory_space<hbm>>
        tpu.enqueue_indirect_dma source(%dma_start3A_124 : memref<80000x128xf32, #tpu.memory_space<hbm>>) target(%arg14 : memref<128x128xf32, #tpu.memory_space<vmem>>) offsets(%arg8 : memref<128xi32, #tpu.memory_space<vmem>>) semaphore(%arg21 : memref<!tpu.dma_semaphore, #tpu.memory_space<semaphore_mem>>)
        %dma_wait3A_125 = arith.constant 0 : i32
        %dma_wait3A_126 = arith.constant 0 : i32
        %dma_wait3A_127 = tpu.memref_slice %arg2[%dma_wait3A_125, %dma_wait3A_126] : memref<80000x128xf32, #tpu.memory_space<hbm>> -> memref<80000x128xf32, #tpu.memory_space<hbm>>
        tpu.wait_indirect_dma semaphore(%arg22 : memref<!tpu.dma_semaphore, #tpu.memory_space<semaphore_mem>>) src(%dma_wait3A_127 : memref<80000x128xf32, #tpu.memory_space<hbm>>) dst(%arg15 : memref<128x128xf32, #tpu.memory_space<vmem>>)
        %dma_start3A_128 = arith.constant 0 : i32
        %dma_start3A_129 = arith.constant 0 : i32
        %dma_start3A_130 = tpu.memref_slice %arg16[%dma_start3A_128, %dma_start3A_129] : memref<10240x128xf32, #tpu.memory_space<vmem_shared>> -> memref<10240x128xf32, #tpu.memory_space<vmem_shared>>
        tpu.enqueue_indirect_dma source(%arg15 : memref<128x128xf32, #tpu.memory_space<vmem>>) target(%dma_start3A_130 : memref<10240x128xf32, #tpu.memory_space<vmem_shared>>) offsets(%arg11 : memref<128xi32, #tpu.memory_space<vmem>>) semaphore(%arg24 : memref<!tpu.dma_semaphore, #tpu.memory_space<semaphore_mem>>) {add = true}
        %lt3A = arith.constant 39 : i32
        %lt3A_131 = arith.cmpi slt, %scan3A_65, %lt3A : i32
        %convert_element_type3A_132 = arith.extui %lt3A_131 : i1 to i32
        %cond3A_133 = arith.constant 0 : i32
        %cond3A_134 = arith.cmpi ne, %convert_element_type3A_132, %cond3A_133 : i32
        scf.if %cond3A_134 {
          %add3A_171 = arith.constant 2 : i32
          %add3A_172 = arith.addi %mul3A_67, %add3A_171 : i32
          %add3A_173 = arith.constant 2 : i32
          %add3A_174 = arith.addi %add3A_172, %add3A_173 : i32
          %mul3A_175 = arith.constant 128 : i32
          %mul3A_176 = arith.muli %add3A_174, %mul3A_175 : i32
          %add3A_177 = arith.addi %mul3A_0, %mul3A_176 : i32
          %dma_start3A_178 = tpu.memref_slice %arg3[%add3A_177] : memref<327680xi32, #tpu.memory_space<hbm>> -> memref<128xi32, #tpu.memory_space<hbm>>
          %dma_start3A_179 = tpu.memref_slice %arg3[%add3A_177] : memref<327680xi32, #tpu.memory_space<hbm>> -> memref<128xi32, #tpu.memory_space<hbm>>
          tpu.enqueue_dma source(%dma_start3A_179 : memref<128xi32, #tpu.memory_space<hbm>>) target(%arg6 : memref<128xi32, #tpu.memory_space<vmem>>) target_semaphore(%arg17 : memref<!tpu.dma_semaphore, #tpu.memory_space<semaphore_mem>>)
          %dma_start3A_180 = tpu.memref_slice %arg4[%add3A_177] : memref<327680xi32, #tpu.memory_space<hbm>> -> memref<128xi32, #tpu.memory_space<hbm>>
          %dma_start3A_181 = tpu.memref_slice %arg4[%add3A_177] : memref<327680xi32, #tpu.memory_space<hbm>> -> memref<128xi32, #tpu.memory_space<hbm>>
          tpu.enqueue_dma source(%dma_start3A_181 : memref<128xi32, #tpu.memory_space<hbm>>) target(%arg10 : memref<128xi32, #tpu.memory_space<vmem>>) target_semaphore(%arg17 : memref<!tpu.dma_semaphore, #tpu.memory_space<semaphore_mem>>)
        } else {
        }
        %dma_wait3A_135 = arith.constant 0 : i32
        %dma_wait3A_136 = arith.constant 0 : i32
        %dma_wait3A_137 = tpu.memref_slice %arg16[%dma_wait3A_135, %dma_wait3A_136] : memref<10240x128xf32, #tpu.memory_space<vmem_shared>> -> memref<10240x128xf32, #tpu.memory_space<vmem_shared>>
        tpu.wait_indirect_dma semaphore(%arg24 : memref<!tpu.dma_semaphore, #tpu.memory_space<semaphore_mem>>) src(%arg15 : memref<128x128xf32, #tpu.memory_space<vmem>>) dst(%dma_wait3A_137 : memref<10240x128xf32, #tpu.memory_space<vmem_shared>>)
        %dma_wait3A_138 = arith.constant 0 : i32
        %dma_wait3A_139 = tpu.memref_slice %arg3[%dma_wait3A_138] : memref<327680xi32, #tpu.memory_space<hbm>> -> memref<128xi32, #tpu.memory_space<hbm>>
        %dma_wait3A_140 = arith.constant 0 : i32
        %dma_wait3A_141 = tpu.memref_slice %arg3[%dma_wait3A_140] : memref<327680xi32, #tpu.memory_space<hbm>> -> memref<128xi32, #tpu.memory_space<hbm>>
        tpu.wait_dma2 semaphore(%arg20 : memref<!tpu.dma_semaphore, #tpu.memory_space<semaphore_mem>>) src(%dma_wait3A_141 : memref<128xi32, #tpu.memory_space<hbm>>) dst(%arg9 : memref<128xi32, #tpu.memory_space<vmem>>)
        %dma_wait3A_142 = arith.constant 0 : i32
        %dma_wait3A_143 = tpu.memref_slice %arg4[%dma_wait3A_142] : memref<327680xi32, #tpu.memory_space<hbm>> -> memref<128xi32, #tpu.memory_space<hbm>>
        %dma_wait3A_144 = arith.constant 0 : i32
        %dma_wait3A_145 = tpu.memref_slice %arg4[%dma_wait3A_144] : memref<327680xi32, #tpu.memory_space<hbm>> -> memref<128xi32, #tpu.memory_space<hbm>>
        tpu.wait_dma2 semaphore(%arg20 : memref<!tpu.dma_semaphore, #tpu.memory_space<semaphore_mem>>) src(%dma_wait3A_145 : memref<128xi32, #tpu.memory_space<hbm>>) dst(%arg13 : memref<128xi32, #tpu.memory_space<vmem>>)
        %dma_start3A_146 = arith.constant 0 : i32
        %dma_start3A_147 = arith.constant 0 : i32
        %dma_start3A_148 = tpu.memref_slice %arg2[%dma_start3A_146, %dma_start3A_147] : memref<80000x128xf32, #tpu.memory_space<hbm>> -> memref<80000x128xf32, #tpu.memory_space<hbm>>
        tpu.enqueue_indirect_dma source(%dma_start3A_148 : memref<80000x128xf32, #tpu.memory_space<hbm>>) target(%arg15 : memref<128x128xf32, #tpu.memory_space<vmem>>) offsets(%arg9 : memref<128xi32, #tpu.memory_space<vmem>>) semaphore(%arg22 : memref<!tpu.dma_semaphore, #tpu.memory_space<semaphore_mem>>)
        %dma_wait3A_149 = arith.constant 0 : i32
        %dma_wait3A_150 = arith.constant 0 : i32
        %dma_wait3A_151 = tpu.memref_slice %arg2[%dma_wait3A_149, %dma_wait3A_150] : memref<80000x128xf32, #tpu.memory_space<hbm>> -> memref<80000x128xf32, #tpu.memory_space<hbm>>
        tpu.wait_indirect_dma semaphore(%arg21 : memref<!tpu.dma_semaphore, #tpu.memory_space<semaphore_mem>>) src(%dma_wait3A_151 : memref<80000x128xf32, #tpu.memory_space<hbm>>) dst(%arg14 : memref<128x128xf32, #tpu.memory_space<vmem>>)
        %dma_start3A_152 = arith.constant 0 : i32
        %dma_start3A_153 = arith.constant 0 : i32
        %dma_start3A_154 = tpu.memref_slice %arg16[%dma_start3A_152, %dma_start3A_153] : memref<10240x128xf32, #tpu.memory_space<vmem_shared>> -> memref<10240x128xf32, #tpu.memory_space<vmem_shared>>
        tpu.enqueue_indirect_dma source(%arg14 : memref<128x128xf32, #tpu.memory_space<vmem>>) target(%dma_start3A_154 : memref<10240x128xf32, #tpu.memory_space<vmem_shared>>) offsets(%arg12 : memref<128xi32, #tpu.memory_space<vmem>>) semaphore(%arg23 : memref<!tpu.dma_semaphore, #tpu.memory_space<semaphore_mem>>) {add = true}
        %lt3A_155 = arith.constant 39 : i32
        %lt3A_156 = arith.cmpi slt, %scan3A_65, %lt3A_155 : i32
        %convert_element_type3A_157 = arith.extui %lt3A_156 : i1 to i32
        %cond3A_158 = arith.constant 0 : i32
        %cond3A_159 = arith.cmpi ne, %convert_element_type3A_157, %cond3A_158 : i32
        scf.if %cond3A_159 {
          %add3A_171 = arith.constant 3 : i32
          %add3A_172 = arith.addi %mul3A_67, %add3A_171 : i32
          %add3A_173 = arith.constant 2 : i32
          %add3A_174 = arith.addi %add3A_172, %add3A_173 : i32
          %mul3A_175 = arith.constant 128 : i32
          %mul3A_176 = arith.muli %add3A_174, %mul3A_175 : i32
          %add3A_177 = arith.addi %mul3A_0, %mul3A_176 : i32
          %dma_start3A_178 = tpu.memref_slice %arg3[%add3A_177] : memref<327680xi32, #tpu.memory_space<hbm>> -> memref<128xi32, #tpu.memory_space<hbm>>
          %dma_start3A_179 = tpu.memref_slice %arg3[%add3A_177] : memref<327680xi32, #tpu.memory_space<hbm>> -> memref<128xi32, #tpu.memory_space<hbm>>
          tpu.enqueue_dma source(%dma_start3A_179 : memref<128xi32, #tpu.memory_space<hbm>>) target(%arg7 : memref<128xi32, #tpu.memory_space<vmem>>) target_semaphore(%arg18 : memref<!tpu.dma_semaphore, #tpu.memory_space<semaphore_mem>>)
          %dma_start3A_180 = tpu.memref_slice %arg4[%add3A_177] : memref<327680xi32, #tpu.memory_space<hbm>> -> memref<128xi32, #tpu.memory_space<hbm>>
          %dma_start3A_181 = tpu.memref_slice %arg4[%add3A_177] : memref<327680xi32, #tpu.memory_space<hbm>> -> memref<128xi32, #tpu.memory_space<hbm>>
          tpu.enqueue_dma source(%dma_start3A_181 : memref<128xi32, #tpu.memory_space<hbm>>) target(%arg11 : memref<128xi32, #tpu.memory_space<vmem>>) target_semaphore(%arg18 : memref<!tpu.dma_semaphore, #tpu.memory_space<semaphore_mem>>)
        } else {
        }
        %lt3A_160 = arith.constant 39 : i32
        %lt3A_161 = arith.cmpi slt, %scan3A_65, %lt3A_160 : i32
        %convert_element_type3A_162 = arith.extui %lt3A_161 : i1 to i32
        %cond3A_163 = arith.constant 0 : i32
        %cond3A_164 = arith.cmpi ne, %convert_element_type3A_162, %cond3A_163 : i32
        scf.if %cond3A_164 {
          %dma_wait3A_171 = arith.constant 0 : i32
          %dma_wait3A_172 = arith.constant 0 : i32
          %dma_wait3A_173 = tpu.memref_slice %arg16[%dma_wait3A_171, %dma_wait3A_172] : memref<10240x128xf32, #tpu.memory_space<vmem_shared>> -> memref<10240x128xf32, #tpu.memory_space<vmem_shared>>
          tpu.wait_indirect_dma semaphore(%arg23 : memref<!tpu.dma_semaphore, #tpu.memory_space<semaphore_mem>>) src(%arg14 : memref<128x128xf32, #tpu.memory_space<vmem>>) dst(%dma_wait3A_173 : memref<10240x128xf32, #tpu.memory_space<vmem_shared>>)
          %dma_wait3A_174 = arith.constant 0 : i32
          %dma_wait3A_175 = tpu.memref_slice %arg3[%dma_wait3A_174] : memref<327680xi32, #tpu.memory_space<hbm>> -> memref<128xi32, #tpu.memory_space<hbm>>
          %dma_wait3A_176 = arith.constant 0 : i32
          %dma_wait3A_177 = tpu.memref_slice %arg3[%dma_wait3A_176] : memref<327680xi32, #tpu.memory_space<hbm>> -> memref<128xi32, #tpu.memory_space<hbm>>
          tpu.wait_dma2 semaphore(%arg17 : memref<!tpu.dma_semaphore, #tpu.memory_space<semaphore_mem>>) src(%dma_wait3A_177 : memref<128xi32, #tpu.memory_space<hbm>>) dst(%arg6 : memref<128xi32, #tpu.memory_space<vmem>>)
          %dma_wait3A_178 = arith.constant 0 : i32
          %dma_wait3A_179 = tpu.memref_slice %arg4[%dma_wait3A_178] : memref<327680xi32, #tpu.memory_space<hbm>> -> memref<128xi32, #tpu.memory_space<hbm>>
          %dma_wait3A_180 = arith.constant 0 : i32
          %dma_wait3A_181 = tpu.memref_slice %arg4[%dma_wait3A_180] : memref<327680xi32, #tpu.memory_space<hbm>> -> memref<128xi32, #tpu.memory_space<hbm>>
          tpu.wait_dma2 semaphore(%arg17 : memref<!tpu.dma_semaphore, #tpu.memory_space<semaphore_mem>>) src(%dma_wait3A_181 : memref<128xi32, #tpu.memory_space<hbm>>) dst(%arg10 : memref<128xi32, #tpu.memory_space<vmem>>)
          %dma_start3A_182 = arith.constant 0 : i32
          %dma_start3A_183 = arith.constant 0 : i32
          %dma_start3A_184 = tpu.memref_slice %arg2[%dma_start3A_182, %dma_start3A_183] : memref<80000x128xf32, #tpu.memory_space<hbm>> -> memref<80000x128xf32, #tpu.memory_space<hbm>>
          tpu.enqueue_indirect_dma source(%dma_start3A_184 : memref<80000x128xf32, #tpu.memory_space<hbm>>) target(%arg14 : memref<128x128xf32, #tpu.memory_space<vmem>>) offsets(%arg6 : memref<128xi32, #tpu.memory_space<vmem>>) semaphore(%arg21 : memref<!tpu.dma_semaphore, #tpu.memory_space<semaphore_mem>>)
        } else {
        }
        %dma_wait3A_165 = arith.constant 0 : i32
        %dma_wait3A_166 = arith.constant 0 : i32
        %dma_wait3A_167 = tpu.memref_slice %arg2[%dma_wait3A_165, %dma_wait3A_166] : memref<80000x128xf32, #tpu.memory_space<hbm>> -> memref<80000x128xf32, #tpu.memory_space<hbm>>
        tpu.wait_indirect_dma semaphore(%arg22 : memref<!tpu.dma_semaphore, #tpu.memory_space<semaphore_mem>>) src(%dma_wait3A_167 : memref<80000x128xf32, #tpu.memory_space<hbm>>) dst(%arg15 : memref<128x128xf32, #tpu.memory_space<vmem>>)
        %dma_start3A_168 = arith.constant 0 : i32
        %dma_start3A_169 = arith.constant 0 : i32
        %dma_start3A_170 = tpu.memref_slice %arg16[%dma_start3A_168, %dma_start3A_169] : memref<10240x128xf32, #tpu.memory_space<vmem_shared>> -> memref<10240x128xf32, #tpu.memory_space<vmem_shared>>
        tpu.enqueue_indirect_dma source(%arg15 : memref<128x128xf32, #tpu.memory_space<vmem>>) target(%dma_start3A_170 : memref<10240x128xf32, #tpu.memory_space<vmem_shared>>) offsets(%arg13 : memref<128xi32, #tpu.memory_space<vmem>>) semaphore(%arg24 : memref<!tpu.dma_semaphore, #tpu.memory_space<semaphore_mem>>) {add = true}
      }
      %scan3A_53 = arith.constant 40 : i32
      %dma_wait3A_54 = arith.constant 0 : i32
      %dma_wait3A_55 = arith.constant 0 : i32
      %dma_wait3A_56 = tpu.memref_slice %arg16[%dma_wait3A_54, %dma_wait3A_55] : memref<10240x128xf32, #tpu.memory_space<vmem_shared>> -> memref<10240x128xf32, #tpu.memory_space<vmem_shared>>
      tpu.wait_indirect_dma semaphore(%arg23 : memref<!tpu.dma_semaphore, #tpu.memory_space<semaphore_mem>>) src(%arg14 : memref<128x128xf32, #tpu.memory_space<vmem>>) dst(%dma_wait3A_56 : memref<10240x128xf32, #tpu.memory_space<vmem_shared>>)
      %dma_wait3A_57 = arith.constant 0 : i32
      %dma_wait3A_58 = arith.constant 0 : i32
      %dma_wait3A_59 = tpu.memref_slice %arg16[%dma_wait3A_57, %dma_wait3A_58] : memref<10240x128xf32, #tpu.memory_space<vmem_shared>> -> memref<10240x128xf32, #tpu.memory_space<vmem_shared>>
      tpu.wait_indirect_dma semaphore(%arg24 : memref<!tpu.dma_semaphore, #tpu.memory_space<semaphore_mem>>) src(%arg15 : memref<128x128xf32, #tpu.memory_space<vmem>>) dst(%dma_wait3A_59 : memref<10240x128xf32, #tpu.memory_space<vmem_shared>>)
      %barrier3A_60 = arith.constant 0 : index
      tpu.barrier barrier_id(%barrier3A_60)
      %mul3A_61 = arith.constant 640 : i32
      %mul3A_62 = arith.muli %arg1, %mul3A_61 : i32
      %mul3A_63 = arith.constant 640 : i32
      %mul3A_64 = arith.muli %arg1, %mul3A_63 : i32
      "tpu.region"() ({
        %run_scoped3A = tpu.sem_alloc : memref<!tpu.dma_semaphore, #tpu.memory_space<semaphore_mem>>
        %dma_start3A_65 = arith.constant 0 : i32
        %dma_start3A_66 = tpu.memref_slice %arg5[%mul3A_64, %dma_start3A_65] : memref<10240x128xf32, #tpu.memory_space<hbm>> -> memref<640x128xf32, #tpu.memory_space<hbm>>
        %dma_start3A_67 = arith.constant 0 : i32
        %dma_start3A_68 = tpu.memref_slice %arg16[%mul3A_62, %dma_start3A_67] : memref<10240x128xf32, #tpu.memory_space<vmem_shared>> -> memref<640x128xf32, #tpu.memory_space<vmem_shared>>
        tpu.enqueue_dma source(%dma_start3A_68 : memref<640x128xf32, #tpu.memory_space<vmem_shared>>) target(%dma_start3A_66 : memref<640x128xf32, #tpu.memory_space<hbm>>) target_semaphore(%run_scoped3A : memref<!tpu.dma_semaphore, #tpu.memory_space<semaphore_mem>>)
        %dma_wait3A_69 = arith.constant 0 : i32
        %dma_wait3A_70 = tpu.memref_slice %arg5[%mul3A_64, %dma_wait3A_69] : memref<10240x128xf32, #tpu.memory_space<hbm>> -> memref<640x128xf32, #tpu.memory_space<hbm>>
        %dma_wait3A_71 = arith.constant 0 : i32
        %dma_wait3A_72 = tpu.memref_slice %arg16[%mul3A_62, %dma_wait3A_71] : memref<10240x128xf32, #tpu.memory_space<vmem_shared>> -> memref<640x128xf32, #tpu.memory_space<vmem_shared>>
        tpu.wait_dma2 semaphore(%run_scoped3A : memref<!tpu.dma_semaphore, #tpu.memory_space<semaphore_mem>>) src(%dma_wait3A_72 : memref<640x128xf32, #tpu.memory_space<vmem_shared>>) dst(%dma_wait3A_70 : memref<640x128xf32, #tpu.memory_space<hbm>>)
        tpu.yield
      }) : () -> ()
    } else {
    }
    return
  }
}

#map = affine_map<(d0, d1) -> (0, 0)>
#map1 = affine_map<(d0, d1) -> (0)>
module attributes {stable_mosaic.version = 14 : i64} {
  func.func @_sc_body(%arg0: i32, %arg1: i32, %arg2: memref<80000x128xf32, #tpu.memory_space<hbm>>, %arg3: memref<327680xi32, #tpu.memory_space<hbm>>, %arg4: memref<327680xi32, #tpu.memory_space<hbm>>, %arg5: memref<10240x128xf32, #tpu.memory_space<hbm>>, %arg6: memref<128xi32, #tpu.memory_space<vmem>>, %arg7: memref<128xi32, #tpu.memory_space<vmem>>, %arg8: memref<128xi32, #tpu.memory_space<vmem>>, %arg9: memref<128xi32, #tpu.memory_space<vmem>>, %arg10: memref<128xi32, #tpu.memory_space<vmem>>, %arg11: memref<128xi32, #tpu.memory_space<vmem>>, %arg12: memref<128xi32, #tpu.memory_space<vmem>>, %arg13: memref<128xi32, #tpu.memory_space<vmem>>, %arg14: memref<128x128xf32, #tpu.memory_space<vmem>>, %arg15: memref<128x128xf32, #tpu.memory_space<vmem>>, %arg16: memref<10240x128xf32, #tpu.memory_space<vmem_shared>>, %arg17: memref<!tpu.dma_semaphore, #tpu.memory_space<semaphore_mem>>, %arg18: memref<!tpu.dma_semaphore, #tpu.memory_space<semaphore_mem>>, %arg19: memref<!tpu.dma_semaphore, #tpu.memory_space<semaphore_mem>>, %arg20: memref<!tpu.dma_semaphore, #tpu.memory_space<semaphore_mem>>, %arg21: memref<!tpu.dma_semaphore, #tpu.memory_space<semaphore_mem>>, %arg22: memref<!tpu.dma_semaphore, #tpu.memory_space<semaphore_mem>>, %arg23: memref<!tpu.dma_semaphore, #tpu.memory_space<semaphore_mem>>, %arg24: memref<!tpu.dma_semaphore, #tpu.memory_space<semaphore_mem>>) attributes {dimension_semantics = [#tpu.dimension_semantics<core_parallel>, #tpu.dimension_semantics<subcore_parallel>], iteration_bounds = array<i64: 2, 16>, scalar_prefetch = 0 : i64, scratch_operands = 19 : i64, tpu.core_type = #tpu.core_type<sc_vector_subcore>, window_params = [{transform_indices = #map}, {transform_indices = #map1}, {transform_indices = #map1}, {transform_indices = #map}]} {
    %mul3A = arith.constant 20480 : i32
    %mul3A_0 = arith.muli %arg1, %mul3A : i32
    %eq3A = arith.constant 0 : i32
    %eq3A_1 = arith.cmpi eq, %arg0, %eq3A : i32
    %convert_element_type3A = arith.extui %eq3A_1 : i1 to i32
    %cond3A = arith.constant 0 : i32
    %cond3A_2 = arith.cmpi ne, %convert_element_type3A, %cond3A : i32
    scf.if %cond3A_2 {
      %scan3A = arith.constant 0 : i32
      %scan3A_3 = arith.constant 0 : i32
      %scan3A_4 = arith.constant 128 : i32
      %scan3A_5 = arith.addi %scan3A_3, %scan3A_4 : i32
      %scan3A_6 = arith.constant 1 : i32
      scf.for %scan3A_65 = %scan3A_3 to %scan3A_5 step %scan3A_6  : i32 {
        %broadcast_in_dim3A = arith.constant 0.000000e+00 : f32
        %broadcast_in_dim3A_66 = vector.broadcast %broadcast_in_dim3A : f32 to vector<16xf32>
        %swap3A = arith.index_cast %scan3A_65 : i32 to index
        %swap3A_67 = arith.constant 0 : index
        %swap3A_68 = tpu.vector_load %arg14[%swap3A, %swap3A_67] {strides = array<i32>} : memref<128x128xf32, #tpu.memory_space<vmem>>, vector<1x16xf32>,
        %swap3A_69 = vector.shape_cast %swap3A_68 : vector<1x16xf32> to vector<16xf32>
        %swap3A_70 = vector.shape_cast %broadcast_in_dim3A_66 : vector<16xf32> to vector<1x16xf32>
        tpu.vector_store %arg14[%swap3A, %swap3A_67], %swap3A_70 {strides = array<i32>} : memref<128x128xf32, #tpu.memory_space<vmem>>, vector<1x16xf32>,
        %broadcast_in_dim3A_71 = arith.constant 0.000000e+00 : f32
        %broadcast_in_dim3A_72 = vector.broadcast %broadcast_in_dim3A_71 : f32 to vector<16xf32>
        %swap3A_73 = arith.index_cast %scan3A_65 : i32 to index
        %swap3A_74 = arith.constant 16 : index
        %swap3A_75 = tpu.vector_load %arg14[%swap3A_73, %swap3A_74] {strides = array<i32>} : memref<128x128xf32, #tpu.memory_space<vmem>>, vector<1x16xf32>,
        %swap3A_76 = vector.shape_cast %swap3A_75 : vector<1x16xf32> to vector<16xf32>
        %swap3A_77 = vector.shape_cast %broadcast_in_dim3A_72 : vector<16xf32> to vector<1x16xf32>
        tpu.vector_store %arg14[%swap3A_73, %swap3A_74], %swap3A_77 {strides = array<i32>} : memref<128x128xf32, #tpu.memory_space<vmem>>, vector<1x16xf32>,
        %broadcast_in_dim3A_78 = arith.constant 0.000000e+00 : f32
        %broadcast_in_dim3A_79 = vector.broadcast %broadcast_in_dim3A_78 : f32 to vector<16xf32>
        %swap3A_80 = arith.index_cast %scan3A_65 : i32 to index
        %swap3A_81 = arith.constant 32 : index
        %swap3A_82 = tpu.vector_load %arg14[%swap3A_80, %swap3A_81] {strides = array<i32>} : memref<128x128xf32, #tpu.memory_space<vmem>>, vector<1x16xf32>,
        %swap3A_83 = vector.shape_cast %swap3A_82 : vector<1x16xf32> to vector<16xf32>
        %swap3A_84 = vector.shape_cast %broadcast_in_dim3A_79 : vector<16xf32> to vector<1x16xf32>
        tpu.vector_store %arg14[%swap3A_80, %swap3A_81], %swap3A_84 {strides = array<i32>} : memref<128x128xf32, #tpu.memory_space<vmem>>, vector<1x16xf32>,
        %broadcast_in_dim3A_85 = arith.constant 0.000000e+00 : f32
        %broadcast_in_dim3A_86 = vector.broadcast %broadcast_in_dim3A_85 : f32 to vector<16xf32>
        %swap3A_87 = arith.index_cast %scan3A_65 : i32 to index
        %swap3A_88 = arith.constant 48 : index
        %swap3A_89 = tpu.vector_load %arg14[%swap3A_87, %swap3A_88] {strides = array<i32>} : memref<128x128xf32, #tpu.memory_space<vmem>>, vector<1x16xf32>,
        %swap3A_90 = vector.shape_cast %swap3A_89 : vector<1x16xf32> to vector<16xf32>
        %swap3A_91 = vector.shape_cast %broadcast_in_dim3A_86 : vector<16xf32> to vector<1x16xf32>
        tpu.vector_store %arg14[%swap3A_87, %swap3A_88], %swap3A_91 {strides = array<i32>} : memref<128x128xf32, #tpu.memory_space<vmem>>, vector<1x16xf32>,
        %broadcast_in_dim3A_92 = arith.constant 0.000000e+00 : f32
        %broadcast_in_dim3A_93 = vector.broadcast %broadcast_in_dim3A_92 : f32 to vector<16xf32>
        %swap3A_94 = arith.index_cast %scan3A_65 : i32 to index
        %swap3A_95 = arith.constant 64 : index
        %swap3A_96 = tpu.vector_load %arg14[%swap3A_94, %swap3A_95] {strides = array<i32>} : memref<128x128xf32, #tpu.memory_space<vmem>>, vector<1x16xf32>,
        %swap3A_97 = vector.shape_cast %swap3A_96 : vector<1x16xf32> to vector<16xf32>
        %swap3A_98 = vector.shape_cast %broadcast_in_dim3A_93 : vector<16xf32> to vector<1x16xf32>
        tpu.vector_store %arg14[%swap3A_94, %swap3A_95], %swap3A_98 {strides = array<i32>} : memref<128x128xf32, #tpu.memory_space<vmem>>, vector<1x16xf32>,
        %broadcast_in_dim3A_99 = arith.constant 0.000000e+00 : f32
        %broadcast_in_dim3A_100 = vector.broadcast %broadcast_in_dim3A_99 : f32 to vector<16xf32>
        %swap3A_101 = arith.index_cast %scan3A_65 : i32 to index
        %swap3A_102 = arith.constant 80 : index
        %swap3A_103 = tpu.vector_load %arg14[%swap3A_101, %swap3A_102] {strides = array<i32>} : memref<128x128xf32, #tpu.memory_space<vmem>>, vector<1x16xf32>,
        %swap3A_104 = vector.shape_cast %swap3A_103 : vector<1x16xf32> to vector<16xf32>
        %swap3A_105 = vector.shape_cast %broadcast_in_dim3A_100 : vector<16xf32> to vector<1x16xf32>
        tpu.vector_store %arg14[%swap3A_101, %swap3A_102], %swap3A_105 {strides = array<i32>} : memref<128x128xf32, #tpu.memory_space<vmem>>, vector<1x16xf32>,
        %broadcast_in_dim3A_106 = arith.constant 0.000000e+00 : f32
        %broadcast_in_dim3A_107 = vector.broadcast %broadcast_in_dim3A_106 : f32 to vector<16xf32>
        %swap3A_108 = arith.index_cast %scan3A_65 : i32 to index
        %swap3A_109 = arith.constant 96 : index
        %swap3A_110 = tpu.vector_load %arg14[%swap3A_108, %swap3A_109] {strides = array<i32>} : memref<128x128xf32, #tpu.memory_space<vmem>>, vector<1x16xf32>,
        %swap3A_111 = vector.shape_cast %swap3A_110 : vector<1x16xf32> to vector<16xf32>
        %swap3A_112 = vector.shape_cast %broadcast_in_dim3A_107 : vector<16xf32> to vector<1x16xf32>
        tpu.vector_store %arg14[%swap3A_108, %swap3A_109], %swap3A_112 {strides = array<i32>} : memref<128x128xf32, #tpu.memory_space<vmem>>, vector<1x16xf32>,
        %broadcast_in_dim3A_113 = arith.constant 0.000000e+00 : f32
        %broadcast_in_dim3A_114 = vector.broadcast %broadcast_in_dim3A_113 : f32 to vector<16xf32>
        %swap3A_115 = arith.index_cast %scan3A_65 : i32 to index
        %swap3A_116 = arith.constant 112 : index
        %swap3A_117 = tpu.vector_load %arg14[%swap3A_115, %swap3A_116] {strides = array<i32>} : memref<128x128xf32, #tpu.memory_space<vmem>>, vector<1x16xf32>,
        %swap3A_118 = vector.shape_cast %swap3A_117 : vector<1x16xf32> to vector<16xf32>
        %swap3A_119 = vector.shape_cast %broadcast_in_dim3A_114 : vector<16xf32> to vector<1x16xf32>
        tpu.vector_store %arg14[%swap3A_115, %swap3A_116], %swap3A_119 {strides = array<i32>} : memref<128x128xf32, #tpu.memory_space<vmem>>, vector<1x16xf32>,
      }
      %scan3A_7 = arith.constant 128 : i32
      %mul3A_8 = arith.constant 640 : i32
      %mul3A_9 = arith.muli %arg1, %mul3A_8 : i32
      %add3A = arith.constant 0 : i32
      %add3A_10 = arith.addi %mul3A_9, %add3A : i32
      "tpu.region"() ({
        %run_scoped3A = tpu.sem_alloc : memref<!tpu.dma_semaphore, #tpu.memory_space<semaphore_mem>>
        %dma_start3A_65 = arith.constant 0 : i32
        %dma_start3A_66 = tpu.memref_slice %arg16[%add3A_10, %dma_start3A_65] : memref<10240x128xf32, #tpu.memory_space<vmem_shared>> -> memref<128x128xf32, #tpu.memory_space<vmem_shared>>
        %dma_start3A_67 = arith.constant 0 : i32
        %dma_start3A_68 = tpu.memref_slice %arg16[%add3A_10, %dma_start3A_67] : memref<10240x128xf32, #tpu.memory_space<vmem_shared>> -> memref<128x128xf32, #tpu.memory_space<vmem_shared>>
        tpu.enqueue_dma source(%arg14 : memref<128x128xf32, #tpu.memory_space<vmem>>) target(%dma_start3A_68 : memref<128x128xf32, #tpu.memory_space<vmem_shared>>) target_semaphore(%run_scoped3A : memref<!tpu.dma_semaphore, #tpu.memory_space<semaphore_mem>>)
        %dma_wait3A_69 = arith.constant 0 : i32
        %dma_wait3A_70 = tpu.memref_slice %arg16[%add3A_10, %dma_wait3A_69] : memref<10240x128xf32, #tpu.memory_space<vmem_shared>> -> memref<128x128xf32, #tpu.memory_space<vmem_shared>>
        %dma_wait3A_71 = arith.constant 0 : i32
        %dma_wait3A_72 = tpu.memref_slice %arg16[%add3A_10, %dma_wait3A_71] : memref<10240x128xf32, #tpu.memory_space<vmem_shared>> -> memref<128x128xf32, #tpu.memory_space<vmem_shared>>
        tpu.wait_dma2 semaphore(%run_scoped3A : memref<!tpu.dma_semaphore, #tpu.memory_space<semaphore_mem>>) src(%arg14 : memref<128x128xf32, #tpu.memory_space<vmem>>) dst(%dma_wait3A_72 : memref<128x128xf32, #tpu.memory_space<vmem_shared>>)
        tpu.yield
      }) : () -> ()
      %mul3A_11 = arith.constant 640 : i32
      %mul3A_12 = arith.muli %arg1, %mul3A_11 : i32
      %add3A_13 = arith.constant 128 : i32
      %add3A_14 = arith.addi %mul3A_12, %add3A_13 : i32
      "tpu.region"() ({
        %run_scoped3A = tpu.sem_alloc : memref<!tpu.dma_semaphore, #tpu.memory_space<semaphore_mem>>
        %dma_start3A_65 = arith.constant 0 : i32
        %dma_start3A_66 = tpu.memref_slice %arg16[%add3A_14, %dma_start3A_65] : memref<10240x128xf32, #tpu.memory_space<vmem_shared>> -> memref<128x128xf32, #tpu.memory_space<vmem_shared>>
        %dma_start3A_67 = arith.constant 0 : i32
        %dma_start3A_68 = tpu.memref_slice %arg16[%add3A_14, %dma_start3A_67] : memref<10240x128xf32, #tpu.memory_space<vmem_shared>> -> memref<128x128xf32, #tpu.memory_space<vmem_shared>>
        tpu.enqueue_dma source(%arg14 : memref<128x128xf32, #tpu.memory_space<vmem>>) target(%dma_start3A_68 : memref<128x128xf32, #tpu.memory_space<vmem_shared>>) target_semaphore(%run_scoped3A : memref<!tpu.dma_semaphore, #tpu.memory_space<semaphore_mem>>)
        %dma_wait3A_69 = arith.constant 0 : i32
        %dma_wait3A_70 = tpu.memref_slice %arg16[%add3A_14, %dma_wait3A_69] : memref<10240x128xf32, #tpu.memory_space<vmem_shared>> -> memref<128x128xf32, #tpu.memory_space<vmem_shared>>
        %dma_wait3A_71 = arith.constant 0 : i32
        %dma_wait3A_72 = tpu.memref_slice %arg16[%add3A_14, %dma_wait3A_71] : memref<10240x128xf32, #tpu.memory_space<vmem_shared>> -> memref<128x128xf32, #tpu.memory_space<vmem_shared>>
        tpu.wait_dma2 semaphore(%run_scoped3A : memref<!tpu.dma_semaphore, #tpu.memory_space<semaphore_mem>>) src(%arg14 : memref<128x128xf32, #tpu.memory_space<vmem>>) dst(%dma_wait3A_72 : memref<128x128xf32, #tpu.memory_space<vmem_shared>>)
        tpu.yield
      }) : () -> ()
      %mul3A_15 = arith.constant 640 : i32
      %mul3A_16 = arith.muli %arg1, %mul3A_15 : i32
      %add3A_17 = arith.constant 256 : i32
      %add3A_18 = arith.addi %mul3A_16, %add3A_17 : i32
      "tpu.region"() ({
        %run_scoped3A = tpu.sem_alloc : memref<!tpu.dma_semaphore, #tpu.memory_space<semaphore_mem>>
        %dma_start3A_65 = arith.constant 0 : i32
        %dma_start3A_66 = tpu.memref_slice %arg16[%add3A_18, %dma_start3A_65] : memref<10240x128xf32, #tpu.memory_space<vmem_shared>> -> memref<128x128xf32, #tpu.memory_space<vmem_shared>>
        %dma_start3A_67 = arith.constant 0 : i32
        %dma_start3A_68 = tpu.memref_slice %arg16[%add3A_18, %dma_start3A_67] : memref<10240x128xf32, #tpu.memory_space<vmem_shared>> -> memref<128x128xf32, #tpu.memory_space<vmem_shared>>
        tpu.enqueue_dma source(%arg14 : memref<128x128xf32, #tpu.memory_space<vmem>>) target(%dma_start3A_68 : memref<128x128xf32, #tpu.memory_space<vmem_shared>>) target_semaphore(%run_scoped3A : memref<!tpu.dma_semaphore, #tpu.memory_space<semaphore_mem>>)
        %dma_wait3A_69 = arith.constant 0 : i32
        %dma_wait3A_70 = tpu.memref_slice %arg16[%add3A_18, %dma_wait3A_69] : memref<10240x128xf32, #tpu.memory_space<vmem_shared>> -> memref<128x128xf32, #tpu.memory_space<vmem_shared>>
        %dma_wait3A_71 = arith.constant 0 : i32
        %dma_wait3A_72 = tpu.memref_slice %arg16[%add3A_18, %dma_wait3A_71] : memref<10240x128xf32, #tpu.memory_space<vmem_shared>> -> memref<128x128xf32, #tpu.memory_space<vmem_shared>>
        tpu.wait_dma2 semaphore(%run_scoped3A : memref<!tpu.dma_semaphore, #tpu.memory_space<semaphore_mem>>) src(%arg14 : memref<128x128xf32, #tpu.memory_space<vmem>>) dst(%dma_wait3A_72 : memref<128x128xf32, #tpu.memory_space<vmem_shared>>)
        tpu.yield
      }) : () -> ()
      %mul3A_19 = arith.constant 640 : i32
      %mul3A_20 = arith.muli %arg1, %mul3A_19 : i32
      %add3A_21 = arith.constant 384 : i32
      %add3A_22 = arith.addi %mul3A_20, %add3A_21 : i32
      "tpu.region"() ({
        %run_scoped3A = tpu.sem_alloc : memref<!tpu.dma_semaphore, #tpu.memory_space<semaphore_mem>>
        %dma_start3A_65 = arith.constant 0 : i32
        %dma_start3A_66 = tpu.memref_slice %arg16[%add3A_22, %dma_start3A_65] : memref<10240x128xf32, #tpu.memory_space<vmem_shared>> -> memref<128x128xf32, #tpu.memory_space<vmem_shared>>
        %dma_start3A_67 = arith.constant 0 : i32
        %dma_start3A_68 = tpu.memref_slice %arg16[%add3A_22, %dma_start3A_67] : memref<10240x128xf32, #tpu.memory_space<vmem_shared>> -> memref<128x128xf32, #tpu.memory_space<vmem_shared>>
        tpu.enqueue_dma source(%arg14 : memref<128x128xf32, #tpu.memory_space<vmem>>) target(%dma_start3A_68 : memref<128x128xf32, #tpu.memory_space<vmem_shared>>) target_semaphore(%run_scoped3A : memref<!tpu.dma_semaphore, #tpu.memory_space<semaphore_mem>>)
        %dma_wait3A_69 = arith.constant 0 : i32
        %dma_wait3A_70 = tpu.memref_slice %arg16[%add3A_22, %dma_wait3A_69] : memref<10240x128xf32, #tpu.memory_space<vmem_shared>> -> memref<128x128xf32, #tpu.memory_space<vmem_shared>>
        %dma_wait3A_71 = arith.constant 0 : i32
        %dma_wait3A_72 = tpu.memref_slice %arg16[%add3A_22, %dma_wait3A_71] : memref<10240x128xf32, #tpu.memory_space<vmem_shared>> -> memref<128x128xf32, #tpu.memory_space<vmem_shared>>
        tpu.wait_dma2 semaphore(%run_scoped3A : memref<!tpu.dma_semaphore, #tpu.memory_space<semaphore_mem>>) src(%arg14 : memref<128x128xf32, #tpu.memory_space<vmem>>) dst(%dma_wait3A_72 : memref<128x128xf32, #tpu.memory_space<vmem_shared>>)
        tpu.yield
      }) : () -> ()
      %mul3A_23 = arith.constant 640 : i32
      %mul3A_24 = arith.muli %arg1, %mul3A_23 : i32
      %add3A_25 = arith.constant 512 : i32
      %add3A_26 = arith.addi %mul3A_24, %add3A_25 : i32
      "tpu.region"() ({
        %run_scoped3A = tpu.sem_alloc : memref<!tpu.dma_semaphore, #tpu.memory_space<semaphore_mem>>
        %dma_start3A_65 = arith.constant 0 : i32
        %dma_start3A_66 = tpu.memref_slice %arg16[%add3A_26, %dma_start3A_65] : memref<10240x128xf32, #tpu.memory_space<vmem_shared>> -> memref<128x128xf32, #tpu.memory_space<vmem_shared>>
        %dma_start3A_67 = arith.constant 0 : i32
        %dma_start3A_68 = tpu.memref_slice %arg16[%add3A_26, %dma_start3A_67] : memref<10240x128xf32, #tpu.memory_space<vmem_shared>> -> memref<128x128xf32, #tpu.memory_space<vmem_shared>>
        tpu.enqueue_dma source(%arg14 : memref<128x128xf32, #tpu.memory_space<vmem>>) target(%dma_start3A_68 : memref<128x128xf32, #tpu.memory_space<vmem_shared>>) target_semaphore(%run_scoped3A : memref<!tpu.dma_semaphore, #tpu.memory_space<semaphore_mem>>)
        %dma_wait3A_69 = arith.constant 0 : i32
        %dma_wait3A_70 = tpu.memref_slice %arg16[%add3A_26, %dma_wait3A_69] : memref<10240x128xf32, #tpu.memory_space<vmem_shared>> -> memref<128x128xf32, #tpu.memory_space<vmem_shared>>
        %dma_wait3A_71 = arith.constant 0 : i32
        %dma_wait3A_72 = tpu.memref_slice %arg16[%add3A_26, %dma_wait3A_71] : memref<10240x128xf32, #tpu.memory_space<vmem_shared>> -> memref<128x128xf32, #tpu.memory_space<vmem_shared>>
        tpu.wait_dma2 semaphore(%run_scoped3A : memref<!tpu.dma_semaphore, #tpu.memory_space<semaphore_mem>>) src(%arg14 : memref<128x128xf32, #tpu.memory_space<vmem>>) dst(%dma_wait3A_72 : memref<128x128xf32, #tpu.memory_space<vmem_shared>>)
        tpu.yield
      }) : () -> ()
      %barrier3A = arith.constant 0 : index
      tpu.barrier barrier_id(%barrier3A)
      %add3A_27 = arith.constant 0 : i32
      %add3A_28 = arith.addi %mul3A_0, %add3A_27 : i32
      %dma_start3A = tpu.memref_slice %arg3[%add3A_28] : memref<327680xi32, #tpu.memory_space<hbm>> -> memref<128xi32, #tpu.memory_space<hbm>>
      %dma_start3A_29 = tpu.memref_slice %arg3[%add3A_28] : memref<327680xi32, #tpu.memory_space<hbm>> -> memref<128xi32, #tpu.memory_space<hbm>>
      tpu.enqueue_dma source(%dma_start3A_29 : memref<128xi32, #tpu.memory_space<hbm>>) target(%arg6 : memref<128xi32, #tpu.memory_space<vmem>>) target_semaphore(%arg17 : memref<!tpu.dma_semaphore, #tpu.memory_space<semaphore_mem>>)
      %dma_start3A_30 = tpu.memref_slice %arg4[%add3A_28] : memref<327680xi32, #tpu.memory_space<hbm>> -> memref<128xi32, #tpu.memory_space<hbm>>
      %dma_start3A_31 = tpu.memref_slice %arg4[%add3A_28] : memref<327680xi32, #tpu.memory_space<hbm>> -> memref<128xi32, #tpu.memory_space<hbm>>
      tpu.enqueue_dma source(%dma_start3A_31 : memref<128xi32, #tpu.memory_space<hbm>>) target(%arg10 : memref<128xi32, #tpu.memory_space<vmem>>) target_semaphore(%arg17 : memref<!tpu.dma_semaphore, #tpu.memory_space<semaphore_mem>>)
      %add3A_32 = arith.constant 128 : i32
      %add3A_33 = arith.addi %mul3A_0, %add3A_32 : i32
      %dma_start3A_34 = tpu.memref_slice %arg3[%add3A_33] : memref<327680xi32, #tpu.memory_space<hbm>> -> memref<128xi32, #tpu.memory_space<hbm>>
      %dma_start3A_35 = tpu.memref_slice %arg3[%add3A_33] : memref<327680xi32, #tpu.memory_space<hbm>> -> memref<128xi32, #tpu.memory_space<hbm>>
      tpu.enqueue_dma source(%dma_start3A_35 : memref<128xi32, #tpu.memory_space<hbm>>) target(%arg7 : memref<128xi32, #tpu.memory_space<vmem>>) target_semaphore(%arg18 : memref<!tpu.dma_semaphore, #tpu.memory_space<semaphore_mem>>)
      %dma_start3A_36 = tpu.memref_slice %arg4[%add3A_33] : memref<327680xi32, #tpu.memory_space<hbm>> -> memref<128xi32, #tpu.memory_space<hbm>>
      %dma_start3A_37 = tpu.memref_slice %arg4[%add3A_33] : memref<327680xi32, #tpu.memory_space<hbm>> -> memref<128xi32, #tpu.memory_space<hbm>>
      tpu.enqueue_dma source(%dma_start3A_37 : memref<128xi32, #tpu.memory_space<hbm>>) target(%arg11 : memref<128xi32, #tpu.memory_space<vmem>>) target_semaphore(%arg18 : memref<!tpu.dma_semaphore, #tpu.memory_space<semaphore_mem>>)
      %dma_wait3A = arith.constant 0 : i32
      %dma_wait3A_38 = tpu.memref_slice %arg3[%dma_wait3A] : memref<327680xi32, #tpu.memory_space<hbm>> -> memref<128xi32, #tpu.memory_space<hbm>>
      %dma_wait3A_39 = arith.constant 0 : i32
      %dma_wait3A_40 = tpu.memref_slice %arg3[%dma_wait3A_39] : memref<327680xi32, #tpu.memory_space<hbm>> -> memref<128xi32, #tpu.memory_space<hbm>>
      tpu.wait_dma2 semaphore(%arg17 : memref<!tpu.dma_semaphore, #tpu.memory_space<semaphore_mem>>) src(%dma_wait3A_40 : memref<128xi32, #tpu.memory_space<hbm>>) dst(%arg6 : memref<128xi32, #tpu.memory_space<vmem>>)
      %dma_wait3A_41 = arith.constant 0 : i32
      %dma_wait3A_42 = tpu.memref_slice %arg4[%dma_wait3A_41] : memref<327680xi32, #tpu.memory_space<hbm>> -> memref<128xi32, #tpu.memory_space<hbm>>
      %dma_wait3A_43 = arith.constant 0 : i32
      %dma_wait3A_44 = tpu.memref_slice %arg4[%dma_wait3A_43] : memref<327680xi32, #tpu.memory_space<hbm>> -> memref<128xi32, #tpu.memory_space<hbm>>
      tpu.wait_dma2 semaphore(%arg17 : memref<!tpu.dma_semaphore, #tpu.memory_space<semaphore_mem>>) src(%dma_wait3A_44 : memref<128xi32, #tpu.memory_space<hbm>>) dst(%arg10 : memref<128xi32, #tpu.memory_space<vmem>>)
      %dma_start3A_45 = arith.constant 0 : i32
      %dma_start3A_46 = arith.constant 0 : i32
      %dma_start3A_47 = tpu.memref_slice %arg2[%dma_start3A_45, %dma_start3A_46] : memref<80000x128xf32, #tpu.memory_space<hbm>> -> memref<80000x128xf32, #tpu.memory_space<hbm>>
      tpu.enqueue_indirect_dma source(%dma_start3A_47 : memref<80000x128xf32, #tpu.memory_space<hbm>>) target(%arg14 : memref<128x128xf32, #tpu.memory_space<vmem>>) offsets(%arg6 : memref<128xi32, #tpu.memory_space<vmem>>) semaphore(%arg21 : memref<!tpu.dma_semaphore, #tpu.memory_space<semaphore_mem>>)
      %scan3A_48 = arith.constant 0 : i32
      %scan3A_49 = arith.constant 0 : i32
      %scan3A_50 = arith.constant 40 : i32
      %scan3A_51 = arith.addi %scan3A_49, %scan3A_50 : i32
      %scan3A_52 = arith.constant 1 : i32
      scf.for %scan3A_65 = %scan3A_49 to %scan3A_51 step %scan3A_52  : i32 {
        %mul3A_66 = arith.constant 4 : i32
        %mul3A_67 = arith.muli %mul3A_66, %scan3A_65 : i32
        %add3A_68 = arith.constant 0 : i32
        %add3A_69 = arith.addi %mul3A_67, %add3A_68 : i32
        %add3A_70 = arith.constant 2 : i32
        %add3A_71 = arith.addi %add3A_69, %add3A_70 : i32
        %mul3A_72 = arith.constant 128 : i32
        %mul3A_73 = arith.muli %add3A_71, %mul3A_72 : i32
        %add3A_74 = arith.addi %mul3A_0, %mul3A_73 : i32
        %dma_start3A_75 = tpu.memref_slice %arg3[%add3A_74] : memref<327680xi32, #tpu.memory_space<hbm>> -> memref<128xi32, #tpu.memory_space<hbm>>
        %dma_start3A_76 = tpu.memref_slice %arg3[%add3A_74] : memref<327680xi32, #tpu.memory_space<hbm>> -> memref<128xi32, #tpu.memory_space<hbm>>
        tpu.enqueue_dma source(%dma_start3A_76 : memref<128xi32, #tpu.memory_space<hbm>>) target(%arg8 : memref<128xi32, #tpu.memory_space<vmem>>) target_semaphore(%arg19 : memref<!tpu.dma_semaphore, #tpu.memory_space<semaphore_mem>>)
        %dma_start3A_77 = tpu.memref_slice %arg4[%add3A_74] : memref<327680xi32, #tpu.memory_space<hbm>> -> memref<128xi32, #tpu.memory_space<hbm>>
        %dma_start3A_78 = tpu.memref_slice %arg4[%add3A_74] : memref<327680xi32, #tpu.memory_space<hbm>> -> memref<128xi32, #tpu.memory_space<hbm>>
        tpu.enqueue_dma source(%dma_start3A_78 : memref<128xi32, #tpu.memory_space<hbm>>) target(%arg12 : memref<128xi32, #tpu.memory_space<vmem>>) target_semaphore(%arg19 : memref<!tpu.dma_semaphore, #tpu.memory_space<semaphore_mem>>)
        %gt3A = arith.constant 0 : i32
        %gt3A_79 = arith.cmpi sgt, %scan3A_65, %gt3A : i32
        %convert_element_type3A_80 = arith.extui %gt3A_79 : i1 to i32
        %cond3A_81 = arith.constant 0 : i32
        %cond3A_82 = arith.cmpi ne, %convert_element_type3A_80, %cond3A_81 : i32
        scf.if %cond3A_82 {
          %dma_wait3A_171 = arith.constant 0 : i32
          %dma_wait3A_172 = arith.constant 0 : i32
          %dma_wait3A_173 = tpu.memref_slice %arg16[%dma_wait3A_171, %dma_wait3A_172] : memref<10240x128xf32, #tpu.memory_space<vmem_shared>> -> memref<10240x128xf32, #tpu.memory_space<vmem_shared>>
          tpu.wait_indirect_dma semaphore(%arg24 : memref<!tpu.dma_semaphore, #tpu.memory_space<semaphore_mem>>) src(%arg15 : memref<128x128xf32, #tpu.memory_space<vmem>>) dst(%dma_wait3A_173 : memref<10240x128xf32, #tpu.memory_space<vmem_shared>>)
        } else {
        }
        %dma_wait3A_83 = arith.constant 0 : i32
        %dma_wait3A_84 = tpu.memref_slice %arg3[%dma_wait3A_83] : memref<327680xi32, #tpu.memory_space<hbm>> -> memref<128xi32, #tpu.memory_space<hbm>>
        %dma_wait3A_85 = arith.constant 0 : i32
        %dma_wait3A_86 = tpu.memref_slice %arg3[%dma_wait3A_85] : memref<327680xi32, #tpu.memory_space<hbm>> -> memref<128xi32, #tpu.memory_space<hbm>>
        tpu.wait_dma2 semaphore(%arg18 : memref<!tpu.dma_semaphore, #tpu.memory_space<semaphore_mem>>) src(%dma_wait3A_86 : memref<128xi32, #tpu.memory_space<hbm>>) dst(%arg7 : memref<128xi32, #tpu.memory_space<vmem>>)
        %dma_wait3A_87 = arith.constant 0 : i32
        %dma_wait3A_88 = tpu.memref_slice %arg4[%dma_wait3A_87] : memref<327680xi32, #tpu.memory_space<hbm>> -> memref<128xi32, #tpu.memory_space<hbm>>
        %dma_wait3A_89 = arith.constant 0 : i32
        %dma_wait3A_90 = tpu.memref_slice %arg4[%dma_wait3A_89] : memref<327680xi32, #tpu.memory_space<hbm>> -> memref<128xi32, #tpu.memory_space<hbm>>
        tpu.wait_dma2 semaphore(%arg18 : memref<!tpu.dma_semaphore, #tpu.memory_space<semaphore_mem>>) src(%dma_wait3A_90 : memref<128xi32, #tpu.memory_space<hbm>>) dst(%arg11 : memref<128xi32, #tpu.memory_space<vmem>>)
        %dma_start3A_91 = arith.constant 0 : i32
        %dma_start3A_92 = arith.constant 0 : i32
        %dma_start3A_93 = tpu.memref_slice %arg2[%dma_start3A_91, %dma_start3A_92] : memref<80000x128xf32, #tpu.memory_space<hbm>> -> memref<80000x128xf32, #tpu.memory_space<hbm>>
        tpu.enqueue_indirect_dma source(%dma_start3A_93 : memref<80000x128xf32, #tpu.memory_space<hbm>>) target(%arg15 : memref<128x128xf32, #tpu.memory_space<vmem>>) offsets(%arg7 : memref<128xi32, #tpu.memory_space<vmem>>) semaphore(%arg22 : memref<!tpu.dma_semaphore, #tpu.memory_space<semaphore_mem>>)
        %dma_wait3A_94 = arith.constant 0 : i32
        %dma_wait3A_95 = arith.constant 0 : i32
        %dma_wait3A_96 = tpu.memref_slice %arg2[%dma_wait3A_94, %dma_wait3A_95] : memref<80000x128xf32, #tpu.memory_space<hbm>> -> memref<80000x128xf32, #tpu.memory_space<hbm>>
        tpu.wait_indirect_dma semaphore(%arg21 : memref<!tpu.dma_semaphore, #tpu.memory_space<semaphore_mem>>) src(%dma_wait3A_96 : memref<80000x128xf32, #tpu.memory_space<hbm>>) dst(%arg14 : memref<128x128xf32, #tpu.memory_space<vmem>>)
        %dma_start3A_97 = arith.constant 0 : i32
        %dma_start3A_98 = arith.constant 0 : i32
        %dma_start3A_99 = tpu.memref_slice %arg16[%dma_start3A_97, %dma_start3A_98] : memref<10240x128xf32, #tpu.memory_space<vmem_shared>> -> memref<10240x128xf32, #tpu.memory_space<vmem_shared>>
        tpu.enqueue_indirect_dma source(%arg14 : memref<128x128xf32, #tpu.memory_space<vmem>>) target(%dma_start3A_99 : memref<10240x128xf32, #tpu.memory_space<vmem_shared>>) offsets(%arg10 : memref<128xi32, #tpu.memory_space<vmem>>) semaphore(%arg23 : memref<!tpu.dma_semaphore, #tpu.memory_space<semaphore_mem>>) {add = true}
        %add3A_100 = arith.constant 1 : i32
        %add3A_101 = arith.addi %mul3A_67, %add3A_100 : i32
        %add3A_102 = arith.constant 2 : i32
        %add3A_103 = arith.addi %add3A_101, %add3A_102 : i32
        %mul3A_104 = arith.constant 128 : i32
        %mul3A_105 = arith.muli %add3A_103, %mul3A_104 : i32
        %add3A_106 = arith.addi %mul3A_0, %mul3A_105 : i32
        %dma_start3A_107 = tpu.memref_slice %arg3[%add3A_106] : memref<327680xi32, #tpu.memory_space<hbm>> -> memref<128xi32, #tpu.memory_space<hbm>>
        %dma_start3A_108 = tpu.memref_slice %arg3[%add3A_106] : memref<327680xi32, #tpu.memory_space<hbm>> -> memref<128xi32, #tpu.memory_space<hbm>>
        tpu.enqueue_dma source(%dma_start3A_108 : memref<128xi32, #tpu.memory_space<hbm>>) target(%arg9 : memref<128xi32, #tpu.memory_space<vmem>>) target_semaphore(%arg20 : memref<!tpu.dma_semaphore, #tpu.memory_space<semaphore_mem>>)
        %dma_start3A_109 = tpu.memref_slice %arg4[%add3A_106] : memref<327680xi32, #tpu.memory_space<hbm>> -> memref<128xi32, #tpu.memory_space<hbm>>
        %dma_start3A_110 = tpu.memref_slice %arg4[%add3A_106] : memref<327680xi32, #tpu.memory_space<hbm>> -> memref<128xi32, #tpu.memory_space<hbm>>
        tpu.enqueue_dma source(%dma_start3A_110 : memref<128xi32, #tpu.memory_space<hbm>>) target(%arg13 : memref<128xi32, #tpu.memory_space<vmem>>) target_semaphore(%arg20 : memref<!tpu.dma_semaphore, #tpu.memory_space<semaphore_mem>>)
        %dma_wait3A_111 = arith.constant 0 : i32
        %dma_wait3A_112 = arith.constant 0 : i32
        %dma_wait3A_113 = tpu.memref_slice %arg16[%dma_wait3A_111, %dma_wait3A_112] : memref<10240x128xf32, #tpu.memory_space<vmem_shared>> -> memref<10240x128xf32, #tpu.memory_space<vmem_shared>>
        tpu.wait_indirect_dma semaphore(%arg23 : memref<!tpu.dma_semaphore, #tpu.memory_space<semaphore_mem>>) src(%arg14 : memref<128x128xf32, #tpu.memory_space<vmem>>) dst(%dma_wait3A_113 : memref<10240x128xf32, #tpu.memory_space<vmem_shared>>)
        %dma_wait3A_114 = arith.constant 0 : i32
        %dma_wait3A_115 = tpu.memref_slice %arg3[%dma_wait3A_114] : memref<327680xi32, #tpu.memory_space<hbm>> -> memref<128xi32, #tpu.memory_space<hbm>>
        %dma_wait3A_116 = arith.constant 0 : i32
        %dma_wait3A_117 = tpu.memref_slice %arg3[%dma_wait3A_116] : memref<327680xi32, #tpu.memory_space<hbm>> -> memref<128xi32, #tpu.memory_space<hbm>>
        tpu.wait_dma2 semaphore(%arg19 : memref<!tpu.dma_semaphore, #tpu.memory_space<semaphore_mem>>) src(%dma_wait3A_117 : memref<128xi32, #tpu.memory_space<hbm>>) dst(%arg8 : memref<128xi32, #tpu.memory_space<vmem>>)
        %dma_wait3A_118 = arith.constant 0 : i32
        %dma_wait3A_119 = tpu.memref_slice %arg4[%dma_wait3A_118] : memref<327680xi32, #tpu.memory_space<hbm>> -> memref<128xi32, #tpu.memory_space<hbm>>
        %dma_wait3A_120 = arith.constant 0 : i32
        %dma_wait3A_121 = tpu.memref_slice %arg4[%dma_wait3A_120] : memref<327680xi32, #tpu.memory_space<hbm>> -> memref<128xi32, #tpu.memory_space<hbm>>
        tpu.wait_dma2 semaphore(%arg19 : memref<!tpu.dma_semaphore, #tpu.memory_space<semaphore_mem>>) src(%dma_wait3A_121 : memref<128xi32, #tpu.memory_space<hbm>>) dst(%arg12 : memref<128xi32, #tpu.memory_space<vmem>>)
        %dma_start3A_122 = arith.constant 0 : i32
        %dma_start3A_123 = arith.constant 0 : i32
        %dma_start3A_124 = tpu.memref_slice %arg2[%dma_start3A_122, %dma_start3A_123] : memref<80000x128xf32, #tpu.memory_space<hbm>> -> memref<80000x128xf32, #tpu.memory_space<hbm>>
        tpu.enqueue_indirect_dma source(%dma_start3A_124 : memref<80000x128xf32, #tpu.memory_space<hbm>>) target(%arg14 : memref<128x128xf32, #tpu.memory_space<vmem>>) offsets(%arg8 : memref<128xi32, #tpu.memory_space<vmem>>) semaphore(%arg21 : memref<!tpu.dma_semaphore, #tpu.memory_space<semaphore_mem>>)
        %dma_wait3A_125 = arith.constant 0 : i32
        %dma_wait3A_126 = arith.constant 0 : i32
        %dma_wait3A_127 = tpu.memref_slice %arg2[%dma_wait3A_125, %dma_wait3A_126] : memref<80000x128xf32, #tpu.memory_space<hbm>> -> memref<80000x128xf32, #tpu.memory_space<hbm>>
        tpu.wait_indirect_dma semaphore(%arg22 : memref<!tpu.dma_semaphore, #tpu.memory_space<semaphore_mem>>) src(%dma_wait3A_127 : memref<80000x128xf32, #tpu.memory_space<hbm>>) dst(%arg15 : memref<128x128xf32, #tpu.memory_space<vmem>>)
        %dma_start3A_128 = arith.constant 0 : i32
        %dma_start3A_129 = arith.constant 0 : i32
        %dma_start3A_130 = tpu.memref_slice %arg16[%dma_start3A_128, %dma_start3A_129] : memref<10240x128xf32, #tpu.memory_space<vmem_shared>> -> memref<10240x128xf32, #tpu.memory_space<vmem_shared>>
        tpu.enqueue_indirect_dma source(%arg15 : memref<128x128xf32, #tpu.memory_space<vmem>>) target(%dma_start3A_130 : memref<10240x128xf32, #tpu.memory_space<vmem_shared>>) offsets(%arg11 : memref<128xi32, #tpu.memory_space<vmem>>) semaphore(%arg24 : memref<!tpu.dma_semaphore, #tpu.memory_space<semaphore_mem>>) {add = true}
        %lt3A = arith.constant 39 : i32
        %lt3A_131 = arith.cmpi slt, %scan3A_65, %lt3A : i32
        %convert_element_type3A_132 = arith.extui %lt3A_131 : i1 to i32
        %cond3A_133 = arith.constant 0 : i32
        %cond3A_134 = arith.cmpi ne, %convert_element_type3A_132, %cond3A_133 : i32
        scf.if %cond3A_134 {
          %add3A_171 = arith.constant 2 : i32
          %add3A_172 = arith.addi %mul3A_67, %add3A_171 : i32
          %add3A_173 = arith.constant 2 : i32
          %add3A_174 = arith.addi %add3A_172, %add3A_173 : i32
          %mul3A_175 = arith.constant 128 : i32
          %mul3A_176 = arith.muli %add3A_174, %mul3A_175 : i32
          %add3A_177 = arith.addi %mul3A_0, %mul3A_176 : i32
          %dma_start3A_178 = tpu.memref_slice %arg3[%add3A_177] : memref<327680xi32, #tpu.memory_space<hbm>> -> memref<128xi32, #tpu.memory_space<hbm>>
          %dma_start3A_179 = tpu.memref_slice %arg3[%add3A_177] : memref<327680xi32, #tpu.memory_space<hbm>> -> memref<128xi32, #tpu.memory_space<hbm>>
          tpu.enqueue_dma source(%dma_start3A_179 : memref<128xi32, #tpu.memory_space<hbm>>) target(%arg6 : memref<128xi32, #tpu.memory_space<vmem>>) target_semaphore(%arg17 : memref<!tpu.dma_semaphore, #tpu.memory_space<semaphore_mem>>)
          %dma_start3A_180 = tpu.memref_slice %arg4[%add3A_177] : memref<327680xi32, #tpu.memory_space<hbm>> -> memref<128xi32, #tpu.memory_space<hbm>>
          %dma_start3A_181 = tpu.memref_slice %arg4[%add3A_177] : memref<327680xi32, #tpu.memory_space<hbm>> -> memref<128xi32, #tpu.memory_space<hbm>>
          tpu.enqueue_dma source(%dma_start3A_181 : memref<128xi32, #tpu.memory_space<hbm>>) target(%arg10 : memref<128xi32, #tpu.memory_space<vmem>>) target_semaphore(%arg17 : memref<!tpu.dma_semaphore, #tpu.memory_space<semaphore_mem>>)
        } else {
        }
        %dma_wait3A_135 = arith.constant 0 : i32
        %dma_wait3A_136 = arith.constant 0 : i32
        %dma_wait3A_137 = tpu.memref_slice %arg16[%dma_wait3A_135, %dma_wait3A_136] : memref<10240x128xf32, #tpu.memory_space<vmem_shared>> -> memref<10240x128xf32, #tpu.memory_space<vmem_shared>>
        tpu.wait_indirect_dma semaphore(%arg24 : memref<!tpu.dma_semaphore, #tpu.memory_space<semaphore_mem>>) src(%arg15 : memref<128x128xf32, #tpu.memory_space<vmem>>) dst(%dma_wait3A_137 : memref<10240x128xf32, #tpu.memory_space<vmem_shared>>)
        %dma_wait3A_138 = arith.constant 0 : i32
        %dma_wait3A_139 = tpu.memref_slice %arg3[%dma_wait3A_138] : memref<327680xi32, #tpu.memory_space<hbm>> -> memref<128xi32, #tpu.memory_space<hbm>>
        %dma_wait3A_140 = arith.constant 0 : i32
        %dma_wait3A_141 = tpu.memref_slice %arg3[%dma_wait3A_140] : memref<327680xi32, #tpu.memory_space<hbm>> -> memref<128xi32, #tpu.memory_space<hbm>>
        tpu.wait_dma2 semaphore(%arg20 : memref<!tpu.dma_semaphore, #tpu.memory_space<semaphore_mem>>) src(%dma_wait3A_141 : memref<128xi32, #tpu.memory_space<hbm>>) dst(%arg9 : memref<128xi32, #tpu.memory_space<vmem>>)
        %dma_wait3A_142 = arith.constant 0 : i32
        %dma_wait3A_143 = tpu.memref_slice %arg4[%dma_wait3A_142] : memref<327680xi32, #tpu.memory_space<hbm>> -> memref<128xi32, #tpu.memory_space<hbm>>
        %dma_wait3A_144 = arith.constant 0 : i32
        %dma_wait3A_145 = tpu.memref_slice %arg4[%dma_wait3A_144] : memref<327680xi32, #tpu.memory_space<hbm>> -> memref<128xi32, #tpu.memory_space<hbm>>
        tpu.wait_dma2 semaphore(%arg20 : memref<!tpu.dma_semaphore, #tpu.memory_space<semaphore_mem>>) src(%dma_wait3A_145 : memref<128xi32, #tpu.memory_space<hbm>>) dst(%arg13 : memref<128xi32, #tpu.memory_space<vmem>>)
        %dma_start3A_146 = arith.constant 0 : i32
        %dma_start3A_147 = arith.constant 0 : i32
        %dma_start3A_148 = tpu.memref_slice %arg2[%dma_start3A_146, %dma_start3A_147] : memref<80000x128xf32, #tpu.memory_space<hbm>> -> memref<80000x128xf32, #tpu.memory_space<hbm>>
        tpu.enqueue_indirect_dma source(%dma_start3A_148 : memref<80000x128xf32, #tpu.memory_space<hbm>>) target(%arg15 : memref<128x128xf32, #tpu.memory_space<vmem>>) offsets(%arg9 : memref<128xi32, #tpu.memory_space<vmem>>) semaphore(%arg22 : memref<!tpu.dma_semaphore, #tpu.memory_space<semaphore_mem>>)
        %dma_wait3A_149 = arith.constant 0 : i32
        %dma_wait3A_150 = arith.constant 0 : i32
        %dma_wait3A_151 = tpu.memref_slice %arg2[%dma_wait3A_149, %dma_wait3A_150] : memref<80000x128xf32, #tpu.memory_space<hbm>> -> memref<80000x128xf32, #tpu.memory_space<hbm>>
        tpu.wait_indirect_dma semaphore(%arg21 : memref<!tpu.dma_semaphore, #tpu.memory_space<semaphore_mem>>) src(%dma_wait3A_151 : memref<80000x128xf32, #tpu.memory_space<hbm>>) dst(%arg14 : memref<128x128xf32, #tpu.memory_space<vmem>>)
        %dma_start3A_152 = arith.constant 0 : i32
        %dma_start3A_153 = arith.constant 0 : i32
        %dma_start3A_154 = tpu.memref_slice %arg16[%dma_start3A_152, %dma_start3A_153] : memref<10240x128xf32, #tpu.memory_space<vmem_shared>> -> memref<10240x128xf32, #tpu.memory_space<vmem_shared>>
        tpu.enqueue_indirect_dma source(%arg14 : memref<128x128xf32, #tpu.memory_space<vmem>>) target(%dma_start3A_154 : memref<10240x128xf32, #tpu.memory_space<vmem_shared>>) offsets(%arg12 : memref<128xi32, #tpu.memory_space<vmem>>) semaphore(%arg23 : memref<!tpu.dma_semaphore, #tpu.memory_space<semaphore_mem>>) {add = true}
        %lt3A_155 = arith.constant 39 : i32
        %lt3A_156 = arith.cmpi slt, %scan3A_65, %lt3A_155 : i32
        %convert_element_type3A_157 = arith.extui %lt3A_156 : i1 to i32
        %cond3A_158 = arith.constant 0 : i32
        %cond3A_159 = arith.cmpi ne, %convert_element_type3A_157, %cond3A_158 : i32
        scf.if %cond3A_159 {
          %add3A_171 = arith.constant 3 : i32
          %add3A_172 = arith.addi %mul3A_67, %add3A_171 : i32
          %add3A_173 = arith.constant 2 : i32
          %add3A_174 = arith.addi %add3A_172, %add3A_173 : i32
          %mul3A_175 = arith.constant 128 : i32
          %mul3A_176 = arith.muli %add3A_174, %mul3A_175 : i32
          %add3A_177 = arith.addi %mul3A_0, %mul3A_176 : i32
          %dma_start3A_178 = tpu.memref_slice %arg3[%add3A_177] : memref<327680xi32, #tpu.memory_space<hbm>> -> memref<128xi32, #tpu.memory_space<hbm>>
          %dma_start3A_179 = tpu.memref_slice %arg3[%add3A_177] : memref<327680xi32, #tpu.memory_space<hbm>> -> memref<128xi32, #tpu.memory_space<hbm>>
          tpu.enqueue_dma source(%dma_start3A_179 : memref<128xi32, #tpu.memory_space<hbm>>) target(%arg7 : memref<128xi32, #tpu.memory_space<vmem>>) target_semaphore(%arg18 : memref<!tpu.dma_semaphore, #tpu.memory_space<semaphore_mem>>)
          %dma_start3A_180 = tpu.memref_slice %arg4[%add3A_177] : memref<327680xi32, #tpu.memory_space<hbm>> -> memref<128xi32, #tpu.memory_space<hbm>>
          %dma_start3A_181 = tpu.memref_slice %arg4[%add3A_177] : memref<327680xi32, #tpu.memory_space<hbm>> -> memref<128xi32, #tpu.memory_space<hbm>>
          tpu.enqueue_dma source(%dma_start3A_181 : memref<128xi32, #tpu.memory_space<hbm>>) target(%arg11 : memref<128xi32, #tpu.memory_space<vmem>>) target_semaphore(%arg18 : memref<!tpu.dma_semaphore, #tpu.memory_space<semaphore_mem>>)
        } else {
        }
        %lt3A_160 = arith.constant 39 : i32
        %lt3A_161 = arith.cmpi slt, %scan3A_65, %lt3A_160 : i32
        %convert_element_type3A_162 = arith.extui %lt3A_161 : i1 to i32
        %cond3A_163 = arith.constant 0 : i32
        %cond3A_164 = arith.cmpi ne, %convert_element_type3A_162, %cond3A_163 : i32
        scf.if %cond3A_164 {
          %dma_wait3A_171 = arith.constant 0 : i32
          %dma_wait3A_172 = arith.constant 0 : i32
          %dma_wait3A_173 = tpu.memref_slice %arg16[%dma_wait3A_171, %dma_wait3A_172] : memref<10240x128xf32, #tpu.memory_space<vmem_shared>> -> memref<10240x128xf32, #tpu.memory_space<vmem_shared>>
          tpu.wait_indirect_dma semaphore(%arg23 : memref<!tpu.dma_semaphore, #tpu.memory_space<semaphore_mem>>) src(%arg14 : memref<128x128xf32, #tpu.memory_space<vmem>>) dst(%dma_wait3A_173 : memref<10240x128xf32, #tpu.memory_space<vmem_shared>>)
          %dma_wait3A_174 = arith.constant 0 : i32
          %dma_wait3A_175 = tpu.memref_slice %arg3[%dma_wait3A_174] : memref<327680xi32, #tpu.memory_space<hbm>> -> memref<128xi32, #tpu.memory_space<hbm>>
          %dma_wait3A_176 = arith.constant 0 : i32
          %dma_wait3A_177 = tpu.memref_slice %arg3[%dma_wait3A_176] : memref<327680xi32, #tpu.memory_space<hbm>> -> memref<128xi32, #tpu.memory_space<hbm>>
          tpu.wait_dma2 semaphore(%arg17 : memref<!tpu.dma_semaphore, #tpu.memory_space<semaphore_mem>>) src(%dma_wait3A_177 : memref<128xi32, #tpu.memory_space<hbm>>) dst(%arg6 : memref<128xi32, #tpu.memory_space<vmem>>)
          %dma_wait3A_178 = arith.constant 0 : i32
          %dma_wait3A_179 = tpu.memref_slice %arg4[%dma_wait3A_178] : memref<327680xi32, #tpu.memory_space<hbm>> -> memref<128xi32, #tpu.memory_space<hbm>>
          %dma_wait3A_180 = arith.constant 0 : i32
          %dma_wait3A_181 = tpu.memref_slice %arg4[%dma_wait3A_180] : memref<327680xi32, #tpu.memory_space<hbm>> -> memref<128xi32, #tpu.memory_space<hbm>>
          tpu.wait_dma2 semaphore(%arg17 : memref<!tpu.dma_semaphore, #tpu.memory_space<semaphore_mem>>) src(%dma_wait3A_181 : memref<128xi32, #tpu.memory_space<hbm>>) dst(%arg10 : memref<128xi32, #tpu.memory_space<vmem>>)
          %dma_start3A_182 = arith.constant 0 : i32
          %dma_start3A_183 = arith.constant 0 : i32
          %dma_start3A_184 = tpu.memref_slice %arg2[%dma_start3A_182, %dma_start3A_183] : memref<80000x128xf32, #tpu.memory_space<hbm>> -> memref<80000x128xf32, #tpu.memory_space<hbm>>
          tpu.enqueue_indirect_dma source(%dma_start3A_184 : memref<80000x128xf32, #tpu.memory_space<hbm>>) target(%arg14 : memref<128x128xf32, #tpu.memory_space<vmem>>) offsets(%arg6 : memref<128xi32, #tpu.memory_space<vmem>>) semaphore(%arg21 : memref<!tpu.dma_semaphore, #tpu.memory_space<semaphore_mem>>)
        } else {
        }
        %dma_wait3A_165 = arith.constant 0 : i32
        %dma_wait3A_166 = arith.constant 0 : i32
        %dma_wait3A_167 = tpu.memref_slice %arg2[%dma_wait3A_165, %dma_wait3A_166] : memref<80000x128xf32, #tpu.memory_space<hbm>> -> memref<80000x128xf32, #tpu.memory_space<hbm>>
        tpu.wait_indirect_dma semaphore(%arg22 : memref<!tpu.dma_semaphore, #tpu.memory_space<semaphore_mem>>) src(%dma_wait3A_167 : memref<80000x128xf32, #tpu.memory_space<hbm>>) dst(%arg15 : memref<128x128xf32, #tpu.memory_space<vmem>>)
        %dma_start3A_168 = arith.constant 0 : i32
        %dma_start3A_169 = arith.constant 0 : i32
        %dma_start3A_170 = tpu.memref_slice %arg16[%dma_start3A_168, %dma_start3A_169] : memref<10240x128xf32, #tpu.memory_space<vmem_shared>> -> memref<10240x128xf32, #tpu.memory_space<vmem_shared>>
        tpu.enqueue_indirect_dma source(%arg15 : memref<128x128xf32, #tpu.memory_space<vmem>>) target(%dma_start3A_170 : memref<10240x128xf32, #tpu.memory_space<vmem_shared>>) offsets(%arg13 : memref<128xi32, #tpu.memory_space<vmem>>) semaphore(%arg24 : memref<!tpu.dma_semaphore, #tpu.memory_space<semaphore_mem>>) {add = true}
      }
      %scan3A_53 = arith.constant 40 : i32
      %dma_wait3A_54 = arith.constant 0 : i32
      %dma_wait3A_55 = arith.constant 0 : i32
      %dma_wait3A_56 = tpu.memref_slice %arg16[%dma_wait3A_54, %dma_wait3A_55] : memref<10240x128xf32, #tpu.memory_space<vmem_shared>> -> memref<10240x128xf32, #tpu.memory_space<vmem_shared>>
      tpu.wait_indirect_dma semaphore(%arg23 : memref<!tpu.dma_semaphore, #tpu.memory_space<semaphore_mem>>) src(%arg14 : memref<128x128xf32, #tpu.memory_space<vmem>>) dst(%dma_wait3A_56 : memref<10240x128xf32, #tpu.memory_space<vmem_shared>>)
      %dma_wait3A_57 = arith.constant 0 : i32
      %dma_wait3A_58 = arith.constant 0 : i32
      %dma_wait3A_59 = tpu.memref_slice %arg16[%dma_wait3A_57, %dma_wait3A_58] : memref<10240x128xf32, #tpu.memory_space<vmem_shared>> -> memref<10240x128xf32, #tpu.memory_space<vmem_shared>>
      tpu.wait_indirect_dma semaphore(%arg24 : memref<!tpu.dma_semaphore, #tpu.memory_space<semaphore_mem>>) src(%arg15 : memref<128x128xf32, #tpu.memory_space<vmem>>) dst(%dma_wait3A_59 : memref<10240x128xf32, #tpu.memory_space<vmem_shared>>)
      %barrier3A_60 = arith.constant 0 : index
      tpu.barrier barrier_id(%barrier3A_60)
      %mul3A_61 = arith.constant 640 : i32
      %mul3A_62 = arith.muli %arg1, %mul3A_61 : i32
      %mul3A_63 = arith.constant 640 : i32
      %mul3A_64 = arith.muli %arg1, %mul3A_63 : i32
      "tpu.region"() ({
        %run_scoped3A = tpu.sem_alloc : memref<!tpu.dma_semaphore, #tpu.memory_space<semaphore_mem>>
        %dma_start3A_65 = arith.constant 0 : i32
        %dma_start3A_66 = tpu.memref_slice %arg5[%mul3A_64, %dma_start3A_65] : memref<10240x128xf32, #tpu.memory_space<hbm>> -> memref<640x128xf32, #tpu.memory_space<hbm>>
        %dma_start3A_67 = arith.constant 0 : i32
        %dma_start3A_68 = tpu.memref_slice %arg16[%mul3A_62, %dma_start3A_67] : memref<10240x128xf32, #tpu.memory_space<vmem_shared>> -> memref<640x128xf32, #tpu.memory_space<vmem_shared>>
        tpu.enqueue_dma source(%dma_start3A_68 : memref<640x128xf32, #tpu.memory_space<vmem_shared>>) target(%dma_start3A_66 : memref<640x128xf32, #tpu.memory_space<hbm>>) target_semaphore(%run_scoped3A : memref<!tpu.dma_semaphore, #tpu.memory_space<semaphore_mem>>)
        %dma_wait3A_69 = arith.constant 0 : i32
        %dma_wait3A_70 = tpu.memref_slice %arg5[%mul3A_64, %dma_wait3A_69] : memref<10240x128xf32, #tpu.memory_space<hbm>> -> memref<640x128xf32, #tpu.memory_space<hbm>>
        %dma_wait3A_71 = arith.constant 0 : i32
        %dma_wait3A_72 = tpu.memref_slice %arg16[%mul3A_62, %dma_wait3A_71] : memref<10240x128xf32, #tpu.memory_space<vmem_shared>> -> memref<640x128xf32, #tpu.memory_space<vmem_shared>>
        tpu.wait_dma2 semaphore(%run_scoped3A : memref<!tpu.dma_semaphore, #tpu.memory_space<semaphore_mem>>) src(%dma_wait3A_72 : memref<640x128xf32, #tpu.memory_space<vmem_shared>>) dst(%dma_wait3A_70 : memref<640x128xf32, #tpu.memory_space<hbm>>)
        tpu.yield
      }) : () -> ()
    } else {
    }
    return
  }
}

module attributes {stable_mosaic.version = 14 : i64} {
  func.func @_mm1_body(%arg0: i32, %arg1: memref<1000x128xf32, #tpu.memory_space<vmem>>, %arg2: memref<128x1152xf32, #tpu.memory_space<vmem>>, %arg3: memref<1x1152xf32, #tpu.memory_space<vmem>>, %arg4: memref<8x1000x128xf32, #tpu.memory_space<vmem>>, %arg5: memref<1000x128xf32, #tpu.memory_space<vmem>>) attributes {dimension_semantics = [#tpu.dimension_semantics<arbitrary>], iteration_bounds = array<i64: 10>, scalar_prefetch = 0 : i64, scratch_operands = 0 : i64, tpu.core_type = #tpu.core_type<tc>, window_params = [{transform_indices = @transform_0, window_bounds = array<i64: 1000, 128>}, {pipeline_mode = #tpu.pipeline_mode<synchronous>, transform_indices = @transform_1, window_bounds = array<i64: 128, 1152>}, {pipeline_mode = #tpu.pipeline_mode<synchronous>, transform_indices = @transform_2, window_bounds = array<i64: 1, 1152>}, {transform_indices = @transform_3, window_bounds = array<i64: 8, 1000, 128>}, {transform_indices = @transform_4, window_bounds = array<i64: 1000, 128>}]} {
    %get3A = arith.constant 0 : index
    %get3A_0 = arith.constant 0 : index
    %get3A_1 = vector.load %arg1[%get3A, %get3A_0] : memref<1000x128xf32, #tpu.memory_space<vmem>>, vector<1000x128xf32>
    %get3A_2 = arith.constant 0 : index
    %get3A_3 = arith.constant 0 : index
    %get3A_4 = vector.load %arg2[%get3A_2, %get3A_3] : memref<128x1152xf32, #tpu.memory_space<vmem>>, vector<128x1152xf32>
    %dot_general3A = arith.constant dense<0.000000e+00> : vector<1000x1152xf32>
    %dot_general3A_5 = tpu.matmul %get3A_1, %get3A_4, %dot_general3A {dimension_numbers = #tpu.dot_dimension_numbers<[1], [0], [0], [1], [0, 0, 1, 1], [], []>, transpose_lhs_hint = false} : vector<1000x128xf32>, vector<128x1152xf32>, vector<1000x1152xf32> -> vector<1000x1152xf32>
    %get3A_6 = arith.constant 0 : index
    %get3A_7 = arith.constant 0 : index
    %get3A_8 = vector.load %arg3[%get3A_6, %get3A_7] : memref<1x1152xf32, #tpu.memory_space<vmem>>, vector<1x1152xf32>
    %add3A = vector.broadcast %get3A_8 : vector<1x1152xf32> to vector<1000x1152xf32>
    %add3A_9 = arith.addf %dot_general3A_5, %add3A : vector<1000x1152xf32>
    %slice3A = vector.extract_strided_slice %add3A_9 {offsets = [0, 0], sizes = [1000, 128], strides = [1, 1]} : vector<1000x1152xf32> to vector<1000x128xf32>
    %swap3A = arith.constant 0 : index
    %swap3A_10 = arith.constant 0 : index
    %swap3A_11 = arith.constant 0 : index
    %swap3A_12 = vector.load %arg4[%swap3A, %swap3A_10, %swap3A_11] : memref<8x1000x128xf32, #tpu.memory_space<vmem>>, vector<1x1000x128xf32>
    %swap3A_13 = vector.shape_cast %swap3A_12 : vector<1x1000x128xf32> to vector<1000x128xf32>
    %swap3A_14 = vector.shape_cast %slice3A : vector<1000x128xf32> to vector<1x1000x128xf32>
    tpu.vector_store %arg4[%swap3A, %swap3A_10, %swap3A_11], %swap3A_14 {strides = array<i32>} : memref<8x1000x128xf32, #tpu.memory_space<vmem>>, vector<1x1000x128xf32>,
    %slice3A_15 = vector.extract_strided_slice %add3A_9 {offsets = [0, 128], sizes = [1000, 128], strides = [1, 1]} : vector<1000x1152xf32> to vector<1000x128xf32>
    %swap3A_16 = arith.constant 1 : index
    %swap3A_17 = arith.constant 0 : index
    %swap3A_18 = arith.constant 0 : index
    %swap3A_19 = vector.load %arg4[%swap3A_16, %swap3A_17, %swap3A_18] : memref<8x1000x128xf32, #tpu.memory_space<vmem>>, vector<1x1000x128xf32>
    %swap3A_20 = vector.shape_cast %swap3A_19 : vector<1x1000x128xf32> to vector<1000x128xf32>
    %swap3A_21 = vector.shape_cast %slice3A_15 : vector<1000x128xf32> to vector<1x1000x128xf32>
    tpu.vector_store %arg4[%swap3A_16, %swap3A_17, %swap3A_18], %swap3A_21 {strides = array<i32>} : memref<8x1000x128xf32, #tpu.memory_space<vmem>>, vector<1x1000x128xf32>,
    %slice3A_22 = vector.extract_strided_slice %add3A_9 {offsets = [0, 256], sizes = [1000, 128], strides = [1, 1]} : vector<1000x1152xf32> to vector<1000x128xf32>
    %swap3A_23 = arith.constant 2 : index
    %swap3A_24 = arith.constant 0 : index
    %swap3A_25 = arith.constant 0 : index
    %swap3A_26 = vector.load %arg4[%swap3A_23, %swap3A_24, %swap3A_25] : memref<8x1000x128xf32, #tpu.memory_space<vmem>>, vector<1x1000x128xf32>
    %swap3A_27 = vector.shape_cast %swap3A_26 : vector<1x1000x128xf32> to vector<1000x128xf32>
    %swap3A_28 = vector.shape_cast %slice3A_22 : vector<1000x128xf32> to vector<1x1000x128xf32>
    tpu.vector_store %arg4[%swap3A_23, %swap3A_24, %swap3A_25], %swap3A_28 {strides = array<i32>} : memref<8x1000x128xf32, #tpu.memory_space<vmem>>, vector<1x1000x128xf32>,
    %slice3A_29 = vector.extract_strided_slice %add3A_9 {offsets = [0, 384], sizes = [1000, 128], strides = [1, 1]} : vector<1000x1152xf32> to vector<1000x128xf32>
    %swap3A_30 = arith.constant 3 : index
    %swap3A_31 = arith.constant 0 : index
    %swap3A_32 = arith.constant 0 : index
    %swap3A_33 = vector.load %arg4[%swap3A_30, %swap3A_31, %swap3A_32] : memref<8x1000x128xf32, #tpu.memory_space<vmem>>, vector<1x1000x128xf32>
    %swap3A_34 = vector.shape_cast %swap3A_33 : vector<1x1000x128xf32> to vector<1000x128xf32>
    %swap3A_35 = vector.shape_cast %slice3A_29 : vector<1000x128xf32> to vector<1x1000x128xf32>
    tpu.vector_store %arg4[%swap3A_30, %swap3A_31, %swap3A_32], %swap3A_35 {strides = array<i32>} : memref<8x1000x128xf32, #tpu.memory_space<vmem>>, vector<1x1000x128xf32>,
    %slice3A_36 = vector.extract_strided_slice %add3A_9 {offsets = [0, 512], sizes = [1000, 128], strides = [1, 1]} : vector<1000x1152xf32> to vector<1000x128xf32>
    %swap3A_37 = arith.constant 4 : index
    %swap3A_38 = arith.constant 0 : index
    %swap3A_39 = arith.constant 0 : index
    %swap3A_40 = vector.load %arg4[%swap3A_37, %swap3A_38, %swap3A_39] : memref<8x1000x128xf32, #tpu.memory_space<vmem>>, vector<1x1000x128xf32>
    %swap3A_41 = vector.shape_cast %swap3A_40 : vector<1x1000x128xf32> to vector<1000x128xf32>
    %swap3A_42 = vector.shape_cast %slice3A_36 : vector<1000x128xf32> to vector<1x1000x128xf32>
    tpu.vector_store %arg4[%swap3A_37, %swap3A_38, %swap3A_39], %swap3A_42 {strides = array<i32>} : memref<8x1000x128xf32, #tpu.memory_space<vmem>>, vector<1x1000x128xf32>,
    %slice3A_43 = vector.extract_strided_slice %add3A_9 {offsets = [0, 640], sizes = [1000, 128], strides = [1, 1]} : vector<1000x1152xf32> to vector<1000x128xf32>
    %swap3A_44 = arith.constant 5 : index
    %swap3A_45 = arith.constant 0 : index
    %swap3A_46 = arith.constant 0 : index
    %swap3A_47 = vector.load %arg4[%swap3A_44, %swap3A_45, %swap3A_46] : memref<8x1000x128xf32, #tpu.memory_space<vmem>>, vector<1x1000x128xf32>
    %swap3A_48 = vector.shape_cast %swap3A_47 : vector<1x1000x128xf32> to vector<1000x128xf32>
    %swap3A_49 = vector.shape_cast %slice3A_43 : vector<1000x128xf32> to vector<1x1000x128xf32>
    tpu.vector_store %arg4[%swap3A_44, %swap3A_45, %swap3A_46], %swap3A_49 {strides = array<i32>} : memref<8x1000x128xf32, #tpu.memory_space<vmem>>, vector<1x1000x128xf32>,
    %slice3A_50 = vector.extract_strided_slice %add3A_9 {offsets = [0, 768], sizes = [1000, 128], strides = [1, 1]} : vector<1000x1152xf32> to vector<1000x128xf32>
    %swap3A_51 = arith.constant 6 : index
    %swap3A_52 = arith.constant 0 : index
    %swap3A_53 = arith.constant 0 : index
    %swap3A_54 = vector.load %arg4[%swap3A_51, %swap3A_52, %swap3A_53] : memref<8x1000x128xf32, #tpu.memory_space<vmem>>, vector<1x1000x128xf32>
    %swap3A_55 = vector.shape_cast %swap3A_54 : vector<1x1000x128xf32> to vector<1000x128xf32>
    %swap3A_56 = vector.shape_cast %slice3A_50 : vector<1000x128xf32> to vector<1x1000x128xf32>
    tpu.vector_store %arg4[%swap3A_51, %swap3A_52, %swap3A_53], %swap3A_56 {strides = array<i32>} : memref<8x1000x128xf32, #tpu.memory_space<vmem>>, vector<1x1000x128xf32>,
    %slice3A_57 = vector.extract_strided_slice %add3A_9 {offsets = [0, 896], sizes = [1000, 128], strides = [1, 1]} : vector<1000x1152xf32> to vector<1000x128xf32>
    %swap3A_58 = arith.constant 7 : index
    %swap3A_59 = arith.constant 0 : index
    %swap3A_60 = arith.constant 0 : index
    %swap3A_61 = vector.load %arg4[%swap3A_58, %swap3A_59, %swap3A_60] : memref<8x1000x128xf32, #tpu.memory_space<vmem>>, vector<1x1000x128xf32>
    %swap3A_62 = vector.shape_cast %swap3A_61 : vector<1x1000x128xf32> to vector<1000x128xf32>
    %swap3A_63 = vector.shape_cast %slice3A_57 : vector<1000x128xf32> to vector<1x1000x128xf32>
    tpu.vector_store %arg4[%swap3A_58, %swap3A_59, %swap3A_60], %swap3A_63 {strides = array<i32>} : memref<8x1000x128xf32, #tpu.memory_space<vmem>>, vector<1x1000x128xf32>,
    %slice3A_64 = vector.extract_strided_slice %add3A_9 {offsets = [0, 1024], sizes = [1000, 128], strides = [1, 1]} : vector<1000x1152xf32> to vector<1000x128xf32>
    %swap3A_65 = arith.constant 0 : index
    %swap3A_66 = arith.constant 0 : index
    %swap3A_67 = vector.load %arg5[%swap3A_65, %swap3A_66] : memref<1000x128xf32, #tpu.memory_space<vmem>>, vector<1000x128xf32>
    tpu.vector_store %arg5[%swap3A_65, %swap3A_66], %slice3A_64 {strides = array<i32>} : memref<1000x128xf32, #tpu.memory_space<vmem>>, vector<1000x128xf32>,
    return
  }
  func.func @transform_0(%arg0: i32) -> (i32, i32) {
    %c0_i32 = arith.constant 0 : i32
    %c0_i32_0 = arith.constant 0 : i32
    return %arg0, %c0_i32 : i32, i32
  }
  func.func @transform_1(%arg0: i32) -> (i32, i32) {
    %c0_i32 = arith.constant 0 : i32
    %c0_i32_0 = arith.constant 0 : i32
    %c0_i32_1 = arith.constant 0 : i32
    return %c0_i32, %c0_i32_0 : i32, i32
  }
  func.func @transform_2(%arg0: i32) -> (i32, i32) {
    %c0_i32 = arith.constant 0 : i32
    %c0_i32_0 = arith.constant 0 : i32
    %c0_i32_1 = arith.constant 0 : i32
    return %c0_i32, %c0_i32_0 : i32, i32
  }
  func.func @transform_3(%arg0: i32) -> (i32, i32, i32) {
    %c0_i32 = arith.constant 0 : i32
    %c0_i32_0 = arith.constant 0 : i32
    %c0_i32_1 = arith.constant 0 : i32
    return %c0_i32, %arg0, %c0_i32_0 : i32, i32, i32
  }
  func.func @transform_4(%arg0: i32) -> (i32, i32) {
    %c0_i32 = arith.constant 0 : i32
    %c0_i32_0 = arith.constant 0 : i32
    return %arg0, %c0_i32 : i32, i32
  }
}

module attributes {stable_mosaic.version = 14 : i64} {
  func.func @_mm2_body(%arg0: i32, %arg1: memref<1000x128xf32, #tpu.memory_space<vmem>>, %arg2: memref<1000x128xf32, #tpu.memory_space<vmem>>, %arg3: memref<128x1152xf32, #tpu.memory_space<vmem>>, %arg4: memref<1x1152xf32, #tpu.memory_space<vmem>>, %arg5: memref<8x1000x128xf32, #tpu.memory_space<vmem>>, %arg6: memref<1000x128xf32, #tpu.memory_space<vmem>>) attributes {dimension_semantics = [#tpu.dimension_semantics<arbitrary>], iteration_bounds = array<i64: 10>, scalar_prefetch = 0 : i64, scratch_operands = 0 : i64, tpu.core_type = #tpu.core_type<tc>, window_params = [{transform_indices = @transform_0, window_bounds = array<i64: 1000, 128>}, {transform_indices = @transform_1, window_bounds = array<i64: 1000, 128>}, {pipeline_mode = #tpu.pipeline_mode<synchronous>, transform_indices = @transform_2, window_bounds = array<i64: 128, 1152>}, {pipeline_mode = #tpu.pipeline_mode<synchronous>, transform_indices = @transform_3, window_bounds = array<i64: 1, 1152>}, {transform_indices = @transform_4, window_bounds = array<i64: 8, 1000, 128>}, {transform_indices = @transform_5, window_bounds = array<i64: 1000, 128>}]} {
    %get3A = arith.constant 0 : index
    %get3A_0 = arith.constant 0 : index
    %get3A_1 = vector.load %arg1[%get3A, %get3A_0] : memref<1000x128xf32, #tpu.memory_space<vmem>>, vector<1000x128xf32>
    %get3A_2 = arith.constant 0 : index
    %get3A_3 = arith.constant 0 : index
    %get3A_4 = vector.load %arg2[%get3A_2, %get3A_3] : memref<1000x128xf32, #tpu.memory_space<vmem>>, vector<1000x128xf32>
    %add3A = arith.addf %get3A_1, %get3A_4 : vector<1000x128xf32>
    %max3A = arith.constant 0.000000e+00 : f32
    %max3A_5 = vector.broadcast %max3A : f32 to vector<1000x128xf32>
    %max3A_6 = arith.maximumf %add3A, %max3A_5 : vector<1000x128xf32>
    %get3A_7 = arith.constant 0 : index
    %get3A_8 = arith.constant 0 : index
    %get3A_9 = vector.load %arg3[%get3A_7, %get3A_8] : memref<128x1152xf32, #tpu.memory_space<vmem>>, vector<128x1152xf32>
    %dot_general3A = arith.constant dense<0.000000e+00> : vector<1000x1152xf32>
    %dot_general3A_10 = tpu.matmul %max3A_6, %get3A_9, %dot_general3A {dimension_numbers = #tpu.dot_dimension_numbers<[1], [0], [0], [1], [0, 0, 1, 1], [], []>, transpose_lhs_hint = false} : vector<1000x128xf32>, vector<128x1152xf32>, vector<1000x1152xf32> -> vector<1000x1152xf32>
    %get3A_11 = arith.constant 0 : index
    %get3A_12 = arith.constant 0 : index
    %get3A_13 = vector.load %arg4[%get3A_11, %get3A_12] : memref<1x1152xf32, #tpu.memory_space<vmem>>, vector<1x1152xf32>
    %add3A_14 = vector.broadcast %get3A_13 : vector<1x1152xf32> to vector<1000x1152xf32>
    %add3A_15 = arith.addf %dot_general3A_10, %add3A_14 : vector<1000x1152xf32>
    %slice3A = vector.extract_strided_slice %add3A_15 {offsets = [0, 0], sizes = [1000, 128], strides = [1, 1]} : vector<1000x1152xf32> to vector<1000x128xf32>
    %swap3A = arith.constant 0 : index
    %swap3A_16 = arith.constant 0 : index
    %swap3A_17 = arith.constant 0 : index
    %swap3A_18 = vector.load %arg5[%swap3A, %swap3A_16, %swap3A_17] : memref<8x1000x128xf32, #tpu.memory_space<vmem>>, vector<1x1000x128xf32>
    %swap3A_19 = vector.shape_cast %swap3A_18 : vector<1x1000x128xf32> to vector<1000x128xf32>
    %swap3A_20 = vector.shape_cast %slice3A : vector<1000x128xf32> to vector<1x1000x128xf32>
    tpu.vector_store %arg5[%swap3A, %swap3A_16, %swap3A_17], %swap3A_20 {strides = array<i32>} : memref<8x1000x128xf32, #tpu.memory_space<vmem>>, vector<1x1000x128xf32>,
    %slice3A_21 = vector.extract_strided_slice %add3A_15 {offsets = [0, 128], sizes = [1000, 128], strides = [1, 1]} : vector<1000x1152xf32> to vector<1000x128xf32>
    %swap3A_22 = arith.constant 1 : index
    %swap3A_23 = arith.constant 0 : index
    %swap3A_24 = arith.constant 0 : index
    %swap3A_25 = vector.load %arg5[%swap3A_22, %swap3A_23, %swap3A_24] : memref<8x1000x128xf32, #tpu.memory_space<vmem>>, vector<1x1000x128xf32>
    %swap3A_26 = vector.shape_cast %swap3A_25 : vector<1x1000x128xf32> to vector<1000x128xf32>
    %swap3A_27 = vector.shape_cast %slice3A_21 : vector<1000x128xf32> to vector<1x1000x128xf32>
    tpu.vector_store %arg5[%swap3A_22, %swap3A_23, %swap3A_24], %swap3A_27 {strides = array<i32>} : memref<8x1000x128xf32, #tpu.memory_space<vmem>>, vector<1x1000x128xf32>,
    %slice3A_28 = vector.extract_strided_slice %add3A_15 {offsets = [0, 256], sizes = [1000, 128], strides = [1, 1]} : vector<1000x1152xf32> to vector<1000x128xf32>
    %swap3A_29 = arith.constant 2 : index
    %swap3A_30 = arith.constant 0 : index
    %swap3A_31 = arith.constant 0 : index
    %swap3A_32 = vector.load %arg5[%swap3A_29, %swap3A_30, %swap3A_31] : memref<8x1000x128xf32, #tpu.memory_space<vmem>>, vector<1x1000x128xf32>
    %swap3A_33 = vector.shape_cast %swap3A_32 : vector<1x1000x128xf32> to vector<1000x128xf32>
    %swap3A_34 = vector.shape_cast %slice3A_28 : vector<1000x128xf32> to vector<1x1000x128xf32>
    tpu.vector_store %arg5[%swap3A_29, %swap3A_30, %swap3A_31], %swap3A_34 {strides = array<i32>} : memref<8x1000x128xf32, #tpu.memory_space<vmem>>, vector<1x1000x128xf32>,
    %slice3A_35 = vector.extract_strided_slice %add3A_15 {offsets = [0, 384], sizes = [1000, 128], strides = [1, 1]} : vector<1000x1152xf32> to vector<1000x128xf32>
    %swap3A_36 = arith.constant 3 : index
    %swap3A_37 = arith.constant 0 : index
    %swap3A_38 = arith.constant 0 : index
    %swap3A_39 = vector.load %arg5[%swap3A_36, %swap3A_37, %swap3A_38] : memref<8x1000x128xf32, #tpu.memory_space<vmem>>, vector<1x1000x128xf32>
    %swap3A_40 = vector.shape_cast %swap3A_39 : vector<1x1000x128xf32> to vector<1000x128xf32>
    %swap3A_41 = vector.shape_cast %slice3A_35 : vector<1000x128xf32> to vector<1x1000x128xf32>
    tpu.vector_store %arg5[%swap3A_36, %swap3A_37, %swap3A_38], %swap3A_41 {strides = array<i32>} : memref<8x1000x128xf32, #tpu.memory_space<vmem>>, vector<1x1000x128xf32>,
    %slice3A_42 = vector.extract_strided_slice %add3A_15 {offsets = [0, 512], sizes = [1000, 128], strides = [1, 1]} : vector<1000x1152xf32> to vector<1000x128xf32>
    %swap3A_43 = arith.constant 4 : index
    %swap3A_44 = arith.constant 0 : index
    %swap3A_45 = arith.constant 0 : index
    %swap3A_46 = vector.load %arg5[%swap3A_43, %swap3A_44, %swap3A_45] : memref<8x1000x128xf32, #tpu.memory_space<vmem>>, vector<1x1000x128xf32>
    %swap3A_47 = vector.shape_cast %swap3A_46 : vector<1x1000x128xf32> to vector<1000x128xf32>
    %swap3A_48 = vector.shape_cast %slice3A_42 : vector<1000x128xf32> to vector<1x1000x128xf32>
    tpu.vector_store %arg5[%swap3A_43, %swap3A_44, %swap3A_45], %swap3A_48 {strides = array<i32>} : memref<8x1000x128xf32, #tpu.memory_space<vmem>>, vector<1x1000x128xf32>,
    %slice3A_49 = vector.extract_strided_slice %add3A_15 {offsets = [0, 640], sizes = [1000, 128], strides = [1, 1]} : vector<1000x1152xf32> to vector<1000x128xf32>
    %swap3A_50 = arith.constant 5 : index
    %swap3A_51 = arith.constant 0 : index
    %swap3A_52 = arith.constant 0 : index
    %swap3A_53 = vector.load %arg5[%swap3A_50, %swap3A_51, %swap3A_52] : memref<8x1000x128xf32, #tpu.memory_space<vmem>>, vector<1x1000x128xf32>
    %swap3A_54 = vector.shape_cast %swap3A_53 : vector<1x1000x128xf32> to vector<1000x128xf32>
    %swap3A_55 = vector.shape_cast %slice3A_49 : vector<1000x128xf32> to vector<1x1000x128xf32>
    tpu.vector_store %arg5[%swap3A_50, %swap3A_51, %swap3A_52], %swap3A_55 {strides = array<i32>} : memref<8x1000x128xf32, #tpu.memory_space<vmem>>, vector<1x1000x128xf32>,
    %slice3A_56 = vector.extract_strided_slice %add3A_15 {offsets = [0, 768], sizes = [1000, 128], strides = [1, 1]} : vector<1000x1152xf32> to vector<1000x128xf32>
    %swap3A_57 = arith.constant 6 : index
    %swap3A_58 = arith.constant 0 : index
    %swap3A_59 = arith.constant 0 : index
    %swap3A_60 = vector.load %arg5[%swap3A_57, %swap3A_58, %swap3A_59] : memref<8x1000x128xf32, #tpu.memory_space<vmem>>, vector<1x1000x128xf32>
    %swap3A_61 = vector.shape_cast %swap3A_60 : vector<1x1000x128xf32> to vector<1000x128xf32>
    %swap3A_62 = vector.shape_cast %slice3A_56 : vector<1000x128xf32> to vector<1x1000x128xf32>
    tpu.vector_store %arg5[%swap3A_57, %swap3A_58, %swap3A_59], %swap3A_62 {strides = array<i32>} : memref<8x1000x128xf32, #tpu.memory_space<vmem>>, vector<1x1000x128xf32>,
    %slice3A_63 = vector.extract_strided_slice %add3A_15 {offsets = [0, 896], sizes = [1000, 128], strides = [1, 1]} : vector<1000x1152xf32> to vector<1000x128xf32>
    %swap3A_64 = arith.constant 7 : index
    %swap3A_65 = arith.constant 0 : index
    %swap3A_66 = arith.constant 0 : index
    %swap3A_67 = vector.load %arg5[%swap3A_64, %swap3A_65, %swap3A_66] : memref<8x1000x128xf32, #tpu.memory_space<vmem>>, vector<1x1000x128xf32>
    %swap3A_68 = vector.shape_cast %swap3A_67 : vector<1x1000x128xf32> to vector<1000x128xf32>
    %swap3A_69 = vector.shape_cast %slice3A_63 : vector<1000x128xf32> to vector<1x1000x128xf32>
    tpu.vector_store %arg5[%swap3A_64, %swap3A_65, %swap3A_66], %swap3A_69 {strides = array<i32>} : memref<8x1000x128xf32, #tpu.memory_space<vmem>>, vector<1x1000x128xf32>,
    %slice3A_70 = vector.extract_strided_slice %add3A_15 {offsets = [0, 1024], sizes = [1000, 128], strides = [1, 1]} : vector<1000x1152xf32> to vector<1000x128xf32>
    %swap3A_71 = arith.constant 0 : index
    %swap3A_72 = arith.constant 0 : index
    %swap3A_73 = vector.load %arg6[%swap3A_71, %swap3A_72] : memref<1000x128xf32, #tpu.memory_space<vmem>>, vector<1000x128xf32>
    tpu.vector_store %arg6[%swap3A_71, %swap3A_72], %slice3A_70 {strides = array<i32>} : memref<1000x128xf32, #tpu.memory_space<vmem>>, vector<1000x128xf32>,
    return
  }
  func.func @transform_0(%arg0: i32) -> (i32, i32) {
    %c0_i32 = arith.constant 0 : i32
    %c0_i32_0 = arith.constant 0 : i32
    return %arg0, %c0_i32 : i32, i32
  }
  func.func @transform_1(%arg0: i32) -> (i32, i32) {
    %c0_i32 = arith.constant 0 : i32
    %c0_i32_0 = arith.constant 0 : i32
    return %arg0, %c0_i32 : i32, i32
  }
  func.func @transform_2(%arg0: i32) -> (i32, i32) {
    %c0_i32 = arith.constant 0 : i32
    %c0_i32_0 = arith.constant 0 : i32
    %c0_i32_1 = arith.constant 0 : i32
    return %c0_i32, %c0_i32_0 : i32, i32
  }
  func.func @transform_3(%arg0: i32) -> (i32, i32) {
    %c0_i32 = arith.constant 0 : i32
    %c0_i32_0 = arith.constant 0 : i32
    %c0_i32_1 = arith.constant 0 : i32
    return %c0_i32, %c0_i32_0 : i32, i32
  }
  func.func @transform_4(%arg0: i32) -> (i32, i32, i32) {
    %c0_i32 = arith.constant 0 : i32
    %c0_i32_0 = arith.constant 0 : i32
    %c0_i32_1 = arith.constant 0 : i32
    return %c0_i32, %arg0, %c0_i32_0 : i32, i32, i32
  }
  func.func @transform_5(%arg0: i32) -> (i32, i32) {
    %c0_i32 = arith.constant 0 : i32
    %c0_i32_0 = arith.constant 0 : i32
    return %arg0, %c0_i32 : i32, i32
  }
}

module attributes {stable_mosaic.version = 14 : i64} {
  func.func @_comb_body(%arg0: i32, %arg1: memref<1000x128xf32, #tpu.memory_space<vmem>>, %arg2: memref<1000x128xf32, #tpu.memory_space<vmem>>, %arg3: memref<1x1x128xf32, #tpu.memory_space<vmem>>) attributes {dimension_semantics = [#tpu.dimension_semantics<arbitrary>], iteration_bounds = array<i64: 10>, scalar_prefetch = 0 : i64, scratch_operands = 0 : i64, tpu.core_type = #tpu.core_type<tc>, window_params = [{transform_indices = @transform_0, window_bounds = array<i64: 1000, 128>}, {transform_indices = @transform_1, window_bounds = array<i64: 1000, 128>}, {transform_indices = @transform_2, window_bounds = array<i64: 1, 1, 128>}]} {
    %get3A = arith.constant 0 : index
    %get3A_0 = arith.constant 0 : index
    %get3A_1 = vector.load %arg1[%get3A, %get3A_0] : memref<1000x128xf32, #tpu.memory_space<vmem>>, vector<1000x128xf32>
    %get3A_2 = arith.constant 0 : index
    %get3A_3 = arith.constant 0 : index
    %get3A_4 = vector.load %arg2[%get3A_2, %get3A_3] : memref<1000x128xf32, #tpu.memory_space<vmem>>, vector<1000x128xf32>
    %add3A = arith.addf %get3A_1, %get3A_4 : vector<1000x128xf32>
    %max3A = arith.constant 0.000000e+00 : f32
    %max3A_5 = vector.broadcast %max3A : f32 to vector<1000x128xf32>
    %max3A_6 = arith.maximumf %add3A, %max3A_5 : vector<1000x128xf32>
    %reduce_sum3A = arith.constant dense<0.000000e+00> : vector<128xf32>
    %reduce_sum3A_7 = vector.multi_reduction <add>, %max3A_6, %reduce_sum3A [0] : vector<1000x128xf32> to vector<128xf32>
    %broadcast_in_dim3A = vector.shape_cast %reduce_sum3A_7 : vector<128xf32> to vector<1x128xf32>
    %broadcast_in_dim3A_8 = vector.shape_cast %broadcast_in_dim3A : vector<1x128xf32> to vector<1x1x128xf32>
    %swap3A = arith.constant 0 : index
    %swap3A_9 = arith.constant 0 : index
    %swap3A_10 = arith.constant 0 : index
    %swap3A_11 = vector.load %arg3[%swap3A, %swap3A_9, %swap3A_10] : memref<1x1x128xf32, #tpu.memory_space<vmem>>, vector<1x1x128xf32>
    tpu.vector_store %arg3[%swap3A, %swap3A_9, %swap3A_10], %broadcast_in_dim3A_8 {strides = array<i32>} : memref<1x1x128xf32, #tpu.memory_space<vmem>>, vector<1x1x128xf32>,
    return
  }
  func.func @transform_0(%arg0: i32) -> (i32, i32) {
    %c0_i32 = arith.constant 0 : i32
    %c0_i32_0 = arith.constant 0 : i32
    return %arg0, %c0_i32 : i32, i32
  }
  func.func @transform_1(%arg0: i32) -> (i32, i32) {
    %c0_i32 = arith.constant 0 : i32
    %c0_i32_0 = arith.constant 0 : i32
    return %arg0, %c0_i32 : i32, i32
  }
  func.func @transform_2(%arg0: i32) -> (i32, i32, i32) {
    %c0_i32 = arith.constant 0 : i32
    %c0_i32_0 = arith.constant 0 : i32
    %c0_i32_1 = arith.constant 0 : i32
    return %arg0, %c0_i32, %c0_i32_0 : i32, i32, i32
  }
}

module attributes {stable_mosaic.version = 14 : i64} {
  func.func @_head_body(%arg0: memref<10x1x128xf32, #tpu.memory_space<vmem>>, %arg1: memref<128x16xf32, #tpu.memory_space<vmem>>, %arg2: memref<1x16xf32, #tpu.memory_space<vmem>>, %arg3: memref<1x16xf32, #tpu.memory_space<vmem>>) attributes {dimension_semantics = [], scalar_prefetch = 0 : i64, scratch_operands = 0 : i64, tpu.core_type = #tpu.core_type<tc>} {
    %get3A = arith.constant 0 : index
    %get3A_0 = arith.constant 0 : index
    %get3A_1 = arith.constant 0 : index
    %get3A_2 = vector.load %arg0[%get3A, %get3A_0, %get3A_1] : memref<10x1x128xf32, #tpu.memory_space<vmem>>, vector<10x1x128xf32>
    %get3A_3 = vector.shape_cast %get3A_2 : vector<10x1x128xf32> to vector<10x128xf32>
    %reduce_sum3A = arith.constant dense<0.000000e+00> : vector<128xf32>
    %reduce_sum3A_4 = vector.multi_reduction <add>, %get3A_3, %reduce_sum3A [0] : vector<10x128xf32> to vector<128xf32>
    %broadcast_in_dim3A = vector.shape_cast %reduce_sum3A_4 : vector<128xf32> to vector<1x128xf32>
    %mul3A = arith.constant 9.99999974E-5 : f32
    %mul3A_5 = vector.broadcast %mul3A : f32 to vector<1x128xf32>
    %mul3A_6 = arith.mulf %broadcast_in_dim3A, %mul3A_5 : vector<1x128xf32>
    %get3A_7 = arith.constant 0 : index
    %get3A_8 = arith.constant 0 : index
    %get3A_9 = vector.load %arg1[%get3A_7, %get3A_8] : memref<128x16xf32, #tpu.memory_space<vmem>>, vector<128x16xf32>
    %dot_general3A = arith.constant dense<0.000000e+00> : vector<1x16xf32>
    %dot_general3A_10 = tpu.matmul %mul3A_6, %get3A_9, %dot_general3A {dimension_numbers = #tpu.dot_dimension_numbers<[1], [0], [0], [1], [0, 0, 1, 1], [], []>, transpose_lhs_hint = false} : vector<1x128xf32>, vector<128x16xf32>, vector<1x16xf32> -> vector<1x16xf32>
    %get3A_11 = arith.constant 0 : index
    %get3A_12 = arith.constant 0 : index
    %get3A_13 = vector.load %arg2[%get3A_11, %get3A_12] : memref<1x16xf32, #tpu.memory_space<vmem>>, vector<1x16xf32>
    %add3A = arith.addf %dot_general3A_10, %get3A_13 : vector<1x16xf32>
    %reduce_max3A = arith.constant dense<0xFF800000> : vector<1xf32>
    %reduce_max3A_14 = vector.multi_reduction <maximumf>, %add3A, %reduce_max3A [1] : vector<1x16xf32> to vector<1xf32>
    %max3A = arith.constant 0xFF800000 : f32
    %max3A_15 = vector.broadcast %max3A : f32 to vector<1xf32>
    %max3A_16 = arith.maximumf %max3A_15, %reduce_max3A_14 : vector<1xf32>
    %broadcast_in_dim3A_17 = vector.shape_cast %max3A_16 : vector<1xf32> to vector<1x1xf32>
    %sub3A = vector.broadcast %broadcast_in_dim3A_17 : vector<1x1xf32> to vector<1x16xf32>
    %sub3A_18 = arith.subf %add3A, %sub3A : vector<1x16xf32>
    %exp3A = math.exp %sub3A_18 : vector<1x16xf32>
    %reduce_sum3A_19 = arith.constant dense<0.000000e+00> : vector<1xf32>
    %reduce_sum3A_20 = vector.multi_reduction <add>, %exp3A, %reduce_sum3A_19 [1] : vector<1x16xf32> to vector<1xf32>
    %broadcast_in_dim3A_21 = vector.shape_cast %reduce_sum3A_20 : vector<1xf32> to vector<1x1xf32>
    %div3A = vector.broadcast %broadcast_in_dim3A_21 : vector<1x1xf32> to vector<1x16xf32>
    %div3A_22 = arith.divf %exp3A, %div3A : vector<1x16xf32>
    %swap3A = arith.constant 0 : index
    %swap3A_23 = arith.constant 0 : index
    %swap3A_24 = vector.load %arg3[%swap3A, %swap3A_23] : memref<1x16xf32, #tpu.memory_space<vmem>>, vector<1x16xf32>
    tpu.vector_store %arg3[%swap3A, %swap3A_23], %div3A_22 {strides = array<i32>} : memref<1x16xf32, #tpu.memory_space<vmem>>, vector<1x16xf32>,
    return
  }
}

</mosaic_0001>

<sc_bundles>
// kernel: kernel.11.cloned.1.call-start
scs
__scs_entry_jumppad:
0x0: {  	(pc) =	sbr.rel $0x88, $3  }
0x1: {  	(tag) =	ssettag $0x0;
	lr =	simm.s32 $0x1  }
0x2: {  	[smem:$0x3F96] =	sst lr;
	_ =	strace $0xD0000000  }
0x3: {  	_ = 	snop  }
0x4: {  	_ = 	snop  }
0x5: {  	_ = 	snop  }
0x6: {  	_ = 	snop  }
0x7: {  	_ = 	snop  }
__scs_overlays_trampoline_lowered:
0x8: {  	[smem:$0x3FA5] =	sst s0  }
0x9: {  	[smem:$0x3FA6] =	sst s1  }
0xa: {  	[smem:$0x3FA7] =	sst s2  }
0xb: {  	[smem:$0x3FA8] =	sst s3  }
0xc: {  	[smem:$0x3FA9] =	sst s4  }
0xd: {  	[smem:$0x3FAA] =	sst s5  }
0xe: {  	[smem:$0x3FAB] =	sst s6  }
0xf: {  	[smem:$0x3FAC] =	sst s7  }
0x10: {  	[smem:$0x3FAD] =	sst s8  }
0x11: {  	[smem:$0x3FAE] =	sst s9;
	s0 =	simm.s32 @!p0 $0x0  }
0x12: {  	s1 =	sld [smem:$0x3F94];
	s0 =	simm.s32 @p0 $0x1  }
0x13: {  	[smem:$0x3FAF] =	sst s0;
	s0 =	simm.s32 @!p1 $0x0  }
0x14: {  	s2 =	sld [smem:$0x3F93];
	s0 =	simm.s32 @p1 $0x1  }
0x15: {  	[smem:$0x3FB0] =	sst s0;
	s0 =	simm.s32 @!p2 $0x0  }
0x16: {  	s3 =	sld [smem:$0x3FDB];
	s0 =	simm.s32 @p2 $0x1  }
0x17: {  	s4 =	simm.s32 $0x1BF5;
	[smem:$0x3FB2] =	sst s0  }
0x18: {  	s0 =	sld [smem:$0x3F95];
	_ =	swait.ge [sflag:s4], $0x0  }
0x19: {  	s7 =	sld [smem:$0x3F96]  }
0x1a: {  	s8 =	sadd.s32 $0xFFFFE003, lr  }
0x1b: {  	s9 =	sadd.s32 $0xFFFFFEF7, lr;
	s5 =	simm.s32 $0xFFFFFFFF;
	p2 =	slt.u32 s8, $0xFFFFF086  }
0x1c: {  	p1 =	slt.u32 s9, $0xF7A;
	s5 =	simm.s32 @!p2 $0x0  }
0x1d: {  	s5 =	simm.s32 @p1 $0x1;
	p0 =	seq.s32 s7, s2  }
0x1e: {  	s7 =	smul.u32 @!p0 $0xF7A, s2;
	p2 =	seq.s32 @!p0 s5, $0x0  }
0x1f: {  	s9 =	smul.u32 $0xF7A, s1;
	s8 =	simm.s32 @!p0 $0x1BF5;
	p2 =	por !p2, p0  }
0x20: {  	[sflag:s8] =	ssyncset.s32 @!p0 $0xFFFFF086;
	s6 =	sadd.s32 @!p0 s3, s7;
	s7 =	simm.s32 @!p0 $0x108  }
0x21: {  	s3 =	sadd.s32 s3, s9;
	s6 =	sadd.s32 @!p0 $0x88, s6;
	s7 =	simm.s32 @p2 $0x1082  }
0x22: {  	[simem:s7], [sflag:s8] =	dma.local @!p0 [hbm:s6], $0xF7A  }
0x23: {  	s9 =	sor.u32 $0xD0000000, s2;
	s6 =	simm.s32 $0x108;
	_ =	swait.ge @!p0 [sflag:s8], $0x0  }
0x24: {  	s3 =	sadd.s32 $0x88, s3;
	s6 =	simm.s32 @!p1 $0x1082;
	[sflag:s4] =	ssyncset.s32 $0xFFFFF086  }
0x25: {  	[simem:s6], [sflag:s4] =	dma.local [hbm:s3], $0xF7A  }
0x26: {  	[smem:$0x3F96] =	sst s1;
	(tag) =	ssettag s2;
	_ =	strace s9  }
0x27: {  	s1 =	sld [smem:$0x3FA6]  }
0x28: {  	s2 =	sld [smem:$0x3FA7]  }
0x29: {  	s4 =	sld [smem:$0x3FA9]  }
0x2a: {  	p0 =	seq.s32 s5, $0x0;
	s5 =	sld [smem:$0x3FAA]  }
0x2b: {  	s6 =	sld [smem:$0x3FAB]  }
0x2c: {  	s7 =	sld [smem:$0x3FAC]  }
0x2d: {  	s3 =	simm.s32 $0x108;
	s8 =	sld [smem:$0x3FAD]  }
0x2e: {  	s3 =	simm.s32 @!p0 $0x1082;
	s9 =	sld [smem:$0x3FAE]  }
0x2f: {  	lr =	sadd.s32 s0, s3;
	s0 =	sld [smem:$0x3FA5]  }
0x30: {  	s3 =	sld [smem:$0x3FA8]  }
0x31: {  	[smem:$0x3FB1] =	sst s10  }
0x32: {  	s10 =	sld [smem:$0x3FAF];
	_ =	sdelay $0x3  }
0x33: {  	p0 =	seq.s32 s10, $0x1;
	s10 =	sld [smem:$0x3FB1];
	_ =	sdelay $0x3  }
0x34: {  	[smem:$0x3FB1] =	sst s10  }
0x35: {  	s10 =	sld [smem:$0x3FB0];
	_ =	sdelay $0x3  }
0x36: {  	p1 =	seq.s32 s10, $0x1;
	s10 =	sld [smem:$0x3FB1];
	_ =	sdelay $0x3  }
0x37: {  	[smem:$0x3FB1] =	sst s10  }
0x38: {  	s10 =	sld [smem:$0x3FB2]  }
0x39: {  	_ = 	snop;
	(pc) =	sbr.ind lr, $3  }
0x3a: {  	_ = 	snop  }
0x3b: {  	_ = 	snop  }
0x3c: {  	p2 =	seq.s32 s10, $0x1;
	s10 =	sld [smem:$0x3FB1]  }
0x3d: {  	_ =	shalt  }
0x3e: {  	_ =	shalt  }
0x3f: {  	_ =	shalt  }
0x40: {  	_ =	shalt  }
0x41: {  	_ =	shalt  }
0x42: {  	_ =	shalt  }
0x43: {  	_ =	shalt  }
0x44: {  	_ =	shalt  }
0x45: {  	_ =	shalt  }
0x46: {  	_ =	shalt  }
0x47: {  	_ =	shalt  }
0x48: {  	_ =	shalt  }
0x49: {  	_ =	shalt  }
0x4a: {  	_ =	shalt  }
0x4b: {  	_ =	shalt  }
0x4c: {  	_ =	shalt  }
0x4d: {  	_ =	shalt  }
0x4e: {  	_ =	shalt  }
0x4f: {  	_ =	shalt  }
0x50: {  	_ =	shalt  }
0x51: {  	_ =	shalt  }
0x52: {  	_ =	shalt  }
0x53: {  	_ =	shalt  }
0x54: {  	_ =	shalt  }
0x55: {  	_ =	shalt  }
0x56: {  	_ =	shalt  }
0x57: {  	_ =	shalt  }
0x58: {  	_ =	shalt  }
0x59: {  	_ =	shalt  }
0x5a: {  	_ =	shalt  }
0x5b: {  	_ =	shalt  }
0x5c: {  	_ =	shalt  }
0x5d: {  	_ =	shalt  }
0x5e: {  	_ =	shalt  }
0x5f: {  	_ =	shalt  }
0x60: {  	_ =	shalt  }
0x61: {  	_ =	shalt  }
0x62: {  	_ =	shalt  }
0x63: {  	_ =	shalt  }
0x64: {  	_ =	shalt  }
0x65: {  	_ =	shalt  }
0x66: {  	_ =	shalt  }
0x67: {  	_ =	shalt  }
0x68: {  	_ =	shalt  }
0x69: {  	_ =	shalt  }
0x6a: {  	_ =	shalt  }
0x6b: {  	_ =	shalt  }
0x6c: {  	_ =	shalt  }
0x6d: {  	_ =	shalt  }
0x6e: {  	_ =	shalt  }
0x6f: {  	_ =	shalt  }
0x70: {  	_ =	shalt  }
0x71: {  	_ =	shalt  }
0x72: {  	_ =	shalt  }
0x73: {  	_ =	shalt  }
0x74: {  	_ =	shalt  }
0x75: {  	_ =	shalt  }
0x76: {  	_ =	shalt  }
0x77: {  	_ =	shalt  }
0x78: {  	_ =	shalt  }
0x79: {  	_ =	shalt  }
0x7a: {  	_ =	shalt  }
0x7b: {  	_ =	shalt  }
0x7c: {  	_ =	shalt  }
0x7d: {  	_ =	shalt  }
0x7e: {  	_ =	shalt  }
0x7f: {  	_ =	shalt  }
0x80: {  	_ =	shalt  }
0x81: {  	_ =	shalt  }
0x82: {  	_ =	shalt  }
0x83: {  	_ =	shalt  }
0x84: {  	_ =	shalt  }
0x85: {  	_ =	shalt  }
0x86: {  	_ =	shalt  }
0x87: {  	_ =	shalt  }
.Lfunc_end0:
.L_simem_size_0:
called_computation.1_lowered:
.L_overlay_start_0:
0x88: {  	s2 =	sld [smem:$0x3FD9]  }
0x89: {  	s3 =	sld [smem:$0x3FFE];
	_ =	sdelay $0x1  }
0x8a: {  	s1 =	srdreg.scid  }
0x8b: {  	s0 =	sand.u32 $0x1, s1  }
0x8c: {  	s16 =	sshll.u32 s0, $0xA;
	s2 =	sadd.s32 s3, s2  }
0x8d: {  	s2 =	sadd.s32 s2, s16  }
0x8e: {  	[smem:$0x3FBD] =	sst s2  }
0x8f: {  	_ = 	snop  }
0x90: {  	(tm) =	ssettm $0x1  }
0x91: {  	s17 =	sld [smem:$0x3FFB];
	_ =	sdelay $0x3  }
0x92: {  	_ =	strace s17  }
0x93: {  	s2 =	sld [smem:$0x3FFC];
	_ =	sdelay $0x3  }
0x94: {  	_ =	strace s2  }
0x95: {  	s2 =	sld [smem:$0x3FFD];
	_ =	sdelay $0x3  }
0x96: {  	_ =	strace s2  }
0x97: {  	_ =	strace $0x8FFFFFFF  }
0x98: {  	s18 =	sld [smem:$0x3FDB];
	_ =	sdelay $0x1  }
0x99: {  	s19 =	simm.s32 $_scs_section_size  }
0x9a: {  	s4 =	simm.s32 $_size__tile_overlayer_lowered;
	s5 =	simm.s32 $_tile_overlayer_lowered  }
0x9b: {  	s22 =	simm.s32 $0x1BFF;
	s21 =	sshll.u32 s5, $0x1;
	s2 =	sadd.s32 s19, s18  }
0x9c: {  	s6 =	simm.s32 $0x0;
	s20 =	sshll.u32 s4, $0x1;
	s4 =	sadd.s32 s21, s2  }
0x9d: {  	[timem:s6], [sflag:s22] =	dma.local [hbm:s4], s20  }
0x9e: {  	_ =	swait.ge [sflag:s22], s20  }
0x9f: {  	s3 =	ssub.s32 $0x0, s20;
	[sflag:s22] =	ssyncset.done $0x0  }
0xa0: {  	[sflag:s22] =	ssyncadd.s32 s3;
	_ =	sdelay $0x1  }
0xa1: {  	s23 =	simm.s32 $0x1B8B  }
0xa2: {  	_ =	swait.ge [sflag:s23], $0x1  }
0xa3: {  	[sflag:s23] =	ssyncset.done $0x0  }
0xa4: {  	s25 =	simm.s32 $0x1B8E;
	s24 =	sld [smem:$0x3FFE];
	[sflag:s23] =	ssyncadd.s32 $0xFFFFFFFF  }
0xa5: {  	s26 =	simm.s32 $execute0_lowered;
	[smem:$0x3FD2] =	sst s25  }
0xa6: {  	s4 =	sshll.u32 s26, $0x1;
	_ =	strace $0x80000049;
	[dreg:$0x1] =	wrdreg $0xFFFFFFFF  }
0xa7: {  	s28 =	simm.s32 $_size_execute0_lowered;
	s2 =	sadd.s32 s2, s4;
	[dreg:$0x0] =	wrdreg $0x0  }
0xa8: {  	s4 =	sshll.u32 s28, $0x1;
	[dreg:$0x2] =	wrdreg s2  }
0xa9: {  	[dreg:$0x3] =	wrdreg s4  }
0xaa: {  	[dreg:$0x4] =	wrdreg $0xC0  }
0xab: {  	_ =	task [dreg:s6], $0x5FFFF  }
0xac: {  	[dreg:$0x1] =	wrdreg $0xFFFFFFFF  }
0xad: {  	[dreg:$0x0] =	wrdreg $0x60  }
0xae: {  	[dreg:$0x2] =	wrdreg s24  }
0xaf: {  	[dreg:$0x3] =	wrdreg $0x84000  }
0xb0: {  	[dreg:$0x4] =	wrdreg $0x9  }
0xb1: {  	_ =	task.clear_ibuf [dreg:s6], $0x5FFFF;
	_ =	strace $0x90000049  }
0xb2: {  	s29 =	simm.s32 $0x9;
	_ =	strace $0x8000004B  }
0xb3: {  	_ =	swait.ge [sflag:s29], $0x1  }
0xb4: {  	[sflag:s29] =	ssyncadd.s32 $0xFFFFFFFF  }
0xb5: {  	_ =	strace $0x9000004B  }
0xb6: {  	_ =	sfence  }
0xb7: {  	s30 =	sld [smem:$0x0];
	_ =	sdelay $0x2  }
0xb8: {  	s31 =	sshll.u32 s1, $0xD;
	s1 =	sshrl.u32 s1, $0x2  }
0xb9: {  	s3 =	sand.u32 $0x4000, s31;
	s1 =	sadd.s32 s1, s30  }
0xba: {  	s0 =	sor.u32 s3, s0;
	s1 =	sshll.u32 s1, $0x11  }
0xbb: {  	s0 =	sor.u32 s1, s0  }
0xbc: {  	s0 =	sadd.s32 $0x8F2B, s0  }
0xbd: {  	[sflag:s0] =	ssyncadd.remote.s32 $0x1  }
0xbe: {  	_ =	sfence.sel $0xFFFF  }
0xbf: {  	[dreg:$0x0] =	wrdreg $0xFFFFFFFF;
	(pc) =	sbr.abs _section_cstart, $3  }
0xc0: {  	[dreg:$0x1] =	wrdreg $0xFFFFFFFF  }
0xc1: {  	_ =	task.clear_ibuf [dreg:s6], $0x2FFFF;
	_ =	strace $0x9FFFFFFF  }
0xc2: {  	(tm) =	ssettm $0x7FFFFFFF  }
0xc3: {  	_ =	shalt  }
tec
execute0_lowered:
.L_overlay_start_1:
0x0: {  	(tag) =	ssettag $0x1  }
0x1: {  	s1 =	srdreg.scid  }
0x2: {  	s1 =	sand.u32 $0x1, s1  }
0x3: {  	p0 =	seq.s32 s1, $0x1  }
.Ltmp0:
0x4: {  	_ = 	snop;
	(pc) =	sbr.rel @p0 .LBB2_6-.Ltmp0, $4  }
0x5: {  	s5 =	rddreg [dreg:$0x0]  }
0x6: {  	s2 =	rddreg [dreg:$0x1];
	s3 =	simm.s32 $0x0  }
0x7: {  	[smem:$0x7FF] =	sst s3  }
0x8: {  	s0 =	rddreg [dreg:$0x2];
	_ =	strace $0x8000004A;
	s1 =	stileid.u32  }
0x9: {  	s3 =	smul.u32 $0x50000, s1  }
0xa: {  	s6 =	smul.u32 $0x2800, s1  }
0xb: {  	s11 =	sadd.s32 $0x13A800, s5;
	s7 =	smul.u32 $0x5000, s1  }
0xc: {  	s4 =	sadd.s32 $0x2000, s5;
	s12 =	sadd.s32 $0x144800, s5;
	s17 =	simm.s32 $0x200  }
0xd: {  	s3 =	sshrl.u32 s3, $0x2;
	s30 =	sadd.s32 s6, s5;
	s31 =	sshrl.u32 s7, $0x3  }
0xe: {  	s6 =	simm.s32 $0x0;
	s3 =	sadd.s32 s3, s2;
	s8 =	sadd.s32 s11, s31  }
0xf: {  	s13 =	sor.u32 $0x10, s31;
	s14 =	sadd.s32 s12, s31;
	s5 =	sadd.s32 $0x14E800, s30  }
0x10: {  	s16 =	sadd.s32 $0x4000, s3;
	s15 =	sadd.s32 $0x8000, s3;
	s9 =	sadd.s32 $0xC000, s3  }
0x11: {  	v0 =	vimm.f32 $0.0e+00;
	s7 =	sadd.s32 $0x10000, s3;
	s10 =	sadd.s32 s11, s13;
	s13 =	sadd.s32 s12, s13  }
.LBB2_2:
0x12: {  	p0 =	sne.s32 s17, $0xFE00;
	[tilespmem:s6+$0x470] =	vst v0  }
0x13: {  	[tilespmem:s6+$0x400] =	vst v0  }
0x14: {  	[tilespmem:s6+$0x410] =	vst v0  }
.Ltmp1:
0x15: {  	[tilespmem:s6+$0x420] =	vst v0;
	(pc) =	sbr.rel @p0 .LBB2_2-.Ltmp1, $4  }
0x16: {  	[tilespmem:s6+$0x430] =	vst v0  }
0x17: {  	[tilespmem:s6+$0x440] =	vst v0  }
0x18: {  	[tilespmem:s6+$0x450] =	vst v0  }
0x19: {  	[tilespmem:s6+$0x460] =	vst v0;
	s6 =	sshra.s32 s17, $0x2;
	s17 =	sadd.s32 $0x200, s17  }
0x1a: {  	[tilespmem:s6+$0x470] =	vst v0  }
0x1b: {  	[tilespmem:s6+$0x400] =	vst v0  }
0x1c: {  	[tilespmem:s6+$0x410] =	vst v0  }
0x1d: {  	[tilespmem:s6+$0x420] =	vst v0  }
0x1e: {  	[tilespmem:s6+$0x430] =	vst v0  }
0x1f: {  	[tilespmem:s6+$0x440] =	vst v0  }
0x20: {  	[tilespmem:s6+$0x450] =	vst v0  }
0x21: {  	[tilespmem:s6+$0x460] =	vst v0;
	s6 =	simm.s32 $0x400;
	s17 =	simm.s32 $0x9  }
0x22: {  	[spmem:s3] =	stream.linear.scatter [tilespmem:s6], [sflag:$0x9], $0x4000, $0x38;
	[tilespmem:$0x1C400] =	vst v63  }
0x23: {  	_ =	swait.ge [sflag:s17], $0x4000  }
0x24: {  	[sflag:s17] =	ssyncset.done $0x0  }
0x25: {  	[sflag:s17] =	ssyncadd.s32 $0xFFFFC000  }
0x26: {  	[spmem:s16] =	stream.linear.scatter [tilespmem:s6], [sflag:$0x9], $0x4000, $0x38;
	[tilespmem:$0x1C400] =	vst v63  }
0x27: {  	_ =	swait.ge [sflag:s17], $0x4000  }
0x28: {  	[sflag:s17] =	ssyncset.done $0x0  }
0x29: {  	[sflag:s17] =	ssyncadd.s32 $0xFFFFC000  }
0x2a: {  	[spmem:s15] =	stream.linear.scatter [tilespmem:s6], [sflag:$0x9], $0x4000, $0x38;
	[tilespmem:$0x1C400] =	vst v63  }
0x2b: {  	_ =	swait.ge [sflag:s17], $0x4000  }
0x2c: {  	[sflag:s17] =	ssyncset.done $0x0  }
0x2d: {  	[sflag:s17] =	ssyncadd.s32 $0xFFFFC000  }
0x2e: {  	[spmem:s9] =	stream.linear.scatter [tilespmem:s6], [sflag:$0x9], $0x4000, $0x38;
	[tilespmem:$0x1C400] =	vst v63  }
0x2f: {  	_ =	swait.ge [sflag:s17], $0x4000  }
0x30: {  	[sflag:s17] =	ssyncset.done $0x0  }
0x31: {  	[sflag:s17] =	ssyncadd.s32 $0xFFFFC000  }
0x32: {  	[spmem:s7] =	stream.linear.scatter [tilespmem:s6], [sflag:$0x9], $0x4000, $0x38;
	[tilespmem:$0x1C400] =	vst v63  }
0x33: {  	_ =	swait.ge [sflag:s17], $0x4000  }
0x34: {  	[sflag:s17] =	ssyncset.done $0x0  }
0x35: {  	[sflag:s17] =	ssyncadd.s32 $0xFFFFC000  }
0x36: {  	s7 =	simm.s32 $0x0;
	[bflag:$0x0] =	sbarrier.arrive $0xFFFF  }
0x37: {  	[tilespmem:s7], [sflag:$0x1] =	stream.linear.gather [hbm4b:s8+s7], $0x80, $0x38;
	[tilespmem:$0x1C400] =	vst v63  }
0x38: {  	s9 =	simm.s32 $0x200  }
0x39: {  	[tilespmem:s9], [sflag:$0x1] =	stream.linear.gather [hbm4b:s14+s7], $0x80, $0x38;
	[tilespmem:$0x1C400] =	vst v63  }
0x3a: {  	s8 =	simm.s32 $0x80  }
0x3b: {  	[tilespmem:s8], [sflag:$0x2] =	stream.linear.gather [hbm4b:s10+s7], $0x80, $0x38;
	[tilespmem:$0x1C400] =	vst v63  }
0x3c: {  	s28 =	simm.s32 $0x1;
	s10 =	simm.s32 $0x280  }
0x3d: {  	[tilespmem:s10], [sflag:$0x2] =	stream.linear.gather [hbm4b:s13+s7], $0x80, $0x38;
	[tilespmem:$0x1C400] =	vst v63  }
0x3e: {  	_ =	swait.ge [sflag:s28], $0x80  }
0x3f: {  	[sflag:s28] =	ssyncset.done $0x0  }
0x40: {  	s29 =	smul.u32 $0xA00, s1;
	[sflag:s28] =	ssyncadd.s32 $0xFFFFFF80  }
0x41: {  	_ =	swait.ge [sflag:s28], $0x80  }
0x42: {  	p0 =	por $0x1, $0x1;
	s11 =	sadd.s32 s29, s11;
	[sflag:s28] =	ssyncset.done $0x0  }
0x43: {  	s12 =	sadd.s32 s29, s12;
	s19 =	sadd.s32 $0x0, s11;
	[sflag:s28] =	ssyncadd.s32 $0xFFFFFF80  }
0x44: {  	[tilespmem:s6], [sflag:$0x5] =	stream.indirect.gather [hbm4b:s4+s8], $0x80, s7, s8, $0xb8;
	[tilespmem:$0x1C400] =	vst v63  }
0x45: {  	s21 =	sadd.s32 $0x0, s12;
	s30 =	sadd.s32 $0x20, s19;
	s13 =	simm.s32 $0x100  }
0x46: {  	[tilespmem:s13], [sflag:$0x3] =	stream.linear.gather [hbm4b:s30+s7], $0x80, $0x38;
	[tilespmem:$0x1C400] =	vst v63  }
0x47: {  	s31 =	sadd.s32 $0x20, s21;
	s16 =	simm.s32 @!p0 $0x8;
	s14 =	simm.s32 $0x300  }
0x48: {  	[tilespmem:s14], [sflag:$0x3] =	stream.linear.gather [hbm4b:s31+s7], $0x80, $0x38;
	[tilespmem:$0x1C400] =	vst v63  }
0x49: {  	_ =	swait.ge @!p0 [sflag:s16], $0x4000  }
0x4a: {  	[sflag:s16] =	ssyncset.done @!p0 $0x0  }
0x4b: {  	s15 =	simm.s32 $0x2;
	[sflag:s16] =	ssyncadd.s32 @!p0 $0xFFFFC000  }
0x4c: {  	_ =	swait.ge [sflag:s15], $0x80  }
0x4d: {  	[sflag:s15] =	ssyncset.done $0x0  }
0x4e: {  	[sflag:s15] =	ssyncadd.s32 $0xFFFFFF80  }
0x4f: {  	_ =	swait.ge [sflag:s15], $0x80  }
0x50: {  	[sflag:s15] =	ssyncset.done $0x0  }
0x51: {  	s17 =	simm.s32 $0x5;
	s16 =	simm.s32 $0x4400;
	[sflag:s15] =	ssyncadd.s32 $0xFFFFFF80  }
0x52: {  	[tilespmem:s16], [sflag:$0x6] =	stream.indirect.gather [hbm4b:s4+s8], $0x80, s8, s8, $0xb8;
	[tilespmem:$0x1C400] =	vst v63  }
0x53: {  	_ =	swait.ge [sflag:s17], $0x4000  }
0x54: {  	[sflag:s17] =	ssyncset.done $0x0  }
0x55: {  	[sflag:s17] =	ssyncadd.s32 $0xFFFFC000  }
0x56: {  	[spmem:s2] =	stream.indirect.scatter.add.f32 [tilespmem:s6], [sflag:$0x7], $0x80, s9, s8, $0xb8;
	[tilespmem:$0x1C400] =	vst v63  }
0x57: {  	s18 =	simm.s32 $0x180;
	s19 =	sadd.s32 $0x30, s19  }
0x58: {  	[tilespmem:s18], [sflag:$0x4] =	stream.linear.gather [hbm4b:s19+s7], $0x80, $0x38;
	[tilespmem:$0x1C400] =	vst v63  }
0x59: {  	s20 =	simm.s32 $0x7;
	s21 =	sadd.s32 $0x30, s21;
	s19 =	simm.s32 $0x380  }
0x5a: {  	[tilespmem:s19], [sflag:$0x4] =	stream.linear.gather [hbm4b:s21+s7], $0x80, $0x38;
	[tilespmem:$0x1C400] =	vst v63  }
0x5b: {  	_ =	swait.ge [sflag:s20], $0x4000  }
0x5c: {  	[sflag:s20] =	ssyncset.done $0x0  }
0x5d: {  	s21 =	simm.s32 $0x3;
	[sflag:s20] =	ssyncadd.s32 $0xFFFFC000  }
0x5e: {  	_ =	swait.ge [sflag:s21], $0x80  }
0x5f: {  	[sflag:s21] =	ssyncset.done $0x0  }
0x60: {  	[sflag:s21] =	ssyncadd.s32 $0xFFFFFF80  }
0x61: {  	_ =	swait.ge [sflag:s21], $0x80  }
0x62: {  	[sflag:s21] =	ssyncset.done $0x0  }
0x63: {  	s22 =	simm.s32 $0x6;
	[sflag:s21] =	ssyncadd.s32 $0xFFFFFF80  }
0x64: {  	[tilespmem:s6], [sflag:$0x5] =	stream.indirect.gather [hbm4b:s4+s8], $0x80, s13, s8, $0xb8;
	[tilespmem:$0x1C400] =	vst v63  }
0x65: {  	_ =	swait.ge [sflag:s22], $0x4000  }
0x66: {  	p0 =	por $0x0, $0x0;
	[sflag:s22] =	ssyncset.done $0x0  }
0x67: {  	s25 =	sadd.s32 @!p0 $0x0, s11;
	[sflag:s22] =	ssyncadd.s32 $0xFFFFC000  }
0x68: {  	[spmem:s2] =	stream.indirect.scatter.add.f32 [tilespmem:s16], [sflag:$0x8], $0x80, s10, s8, $0xb8;
	[tilespmem:$0x1C400] =	vst v63  }
0x69: {  	s26 =	simm.s32 @!p0 $0x0;
	s28 =	sadd.s32 @!p0 $0x0, s12;
	s23 =	sadd.s32 @!p0 $0x40, s25  }
0x6a: {  	[tilespmem:s26], [sflag:$0x1] =	stream.linear.gather @!p0 [hbm4b:s23+s26], $0x80, $0x38;
	[tilespmem:$0x1C400] =	vst v63  }
0x6b: {  	s24 =	simm.s32 @!p0 $0x200;
	s29 =	sadd.s32 @!p0 $0x40, s28;
	s23 =	simm.s32 $0x8  }
0x6c: {  	[tilespmem:s24], [sflag:$0x1] =	stream.linear.gather @!p0 [hbm4b:s29+s26], $0x80, $0x38;
	[tilespmem:$0x1C400] =	vst v63  }
0x6d: {  	_ =	swait.ge [sflag:s23], $0x4000  }
0x6e: {  	[sflag:s23] =	ssyncset.done $0x0  }
0x6f: {  	s24 =	simm.s32 $0x4;
	[sflag:s23] =	ssyncadd.s32 $0xFFFFC000  }
0x70: {  	_ =	swait.ge [sflag:s24], $0x80  }
0x71: {  	[sflag:s24] =	ssyncset.done $0x0  }
0x72: {  	[sflag:s24] =	ssyncadd.s32 $0xFFFFFF80  }
0x73: {  	_ =	swait.ge [sflag:s24], $0x80  }
0x74: {  	[sflag:s24] =	ssyncset.done $0x0  }
0x75: {  	[sflag:s24] =	ssyncadd.s32 $0xFFFFFF80  }
0x76: {  	[tilespmem:s16], [sflag:$0x6] =	stream.indirect.gather [hbm4b:s4+s8], $0x80, s18, s8, $0xb8;
	[tilespmem:$0x1C400] =	vst v63  }
0x77: {  	_ =	swait.ge [sflag:s17], $0x4000  }
0x78: {  	[sflag:s17] =	ssyncset.done $0x0  }
0x79: {  	[sflag:s17] =	ssyncadd.s32 $0xFFFFC000  }
0x7a: {  	[spmem:s2] =	stream.indirect.scatter.add.f32 [tilespmem:s6], [sflag:$0x7], $0x80, s14, s8, $0xb8;
	[tilespmem:$0x1C400] =	vst v63  }
0x7b: {  	s25 =	sadd.s32 @!p0 $0x50, s25;
	s29 =	simm.s32 @!p0 $0x80  }
0x7c: {  	[tilespmem:s29], [sflag:$0x2] =	stream.linear.gather @!p0 [hbm4b:s25+s26], $0x80, $0x38;
	[tilespmem:$0x1C400] =	vst v63  }
0x7d: {  	s25 =	sadd.s32 @!p0 $0x50, s28;
	s28 =	simm.s32 @!p0 $0x280  }
0x7e: {  	[tilespmem:s28], [sflag:$0x2] =	stream.linear.gather @!p0 [hbm4b:s25+s26], $0x80, $0x38;
	[tilespmem:$0x1C400] =	vst v63  }
0x7f: {  	s25 =	simm.s32 @!p0 $0x7  }
0x80: {  	_ =	swait.ge @!p0 [sflag:s25], $0x4000  }
0x81: {  	[sflag:s25] =	ssyncset.done @!p0 $0x0  }
0x82: {  	[sflag:s25] =	ssyncadd.s32 @!p0 $0xFFFFC000;
	s25 =	simm.s32 @!p0 $0x1  }
0x83: {  	_ =	swait.ge @!p0 [sflag:s25], $0x80  }
0x84: {  	[sflag:s25] =	ssyncset.done @!p0 $0x0  }
0x85: {  	[sflag:s25] =	ssyncadd.s32 @!p0 $0xFFFFFF80  }
0x86: {  	_ =	swait.ge @!p0 [sflag:s25], $0x80  }
0x87: {  	[sflag:s25] =	ssyncset.done @!p0 $0x0  }
0x88: {  	[sflag:s25] =	ssyncadd.s32 @!p0 $0xFFFFFF80;
	s25 =	simm.s32 @!p0 $0x400  }
0x89: {  	[tilespmem:s25], [sflag:$0x5] =	stream.indirect.gather @!p0 [hbm4b:s4+s29], $0x80, s26, s29, $0xb8;
	[tilespmem:$0x1C400] =	vst v63  }
0x8a: {  	_ =	swait.ge [sflag:s22], $0x4000  }
0x8b: {  	s25 =	simm.s32 $0x40;
	[sflag:s22] =	ssyncset.done $0x0  }
.LBB2_4:
0x8c: {  	s28 =	sadd.s32 s25, s11  }
0x8d: {  	[sflag:s22] =	ssyncadd.s32 $0xFFFFC000;
	s26 =	smov.u32 s25;
	s25 =	sadd.s32 $0x40, s25  }
0x8e: {  	[spmem:s2] =	stream.indirect.scatter.add.f32 [tilespmem:s16], [sflag:$0x8], $0x80, s19, s8, $0xb8;
	[tilespmem:$0x1C400] =	vst v63  }
0x8f: {  	s29 =	sadd.s32 $0x20, s28;
	s30 =	sadd.s32 s26, s12;
	p0 =	sne.s32 s25, $0xA00  }
0x90: {  	[tilespmem:s13], [sflag:$0x3] =	stream.linear.gather [hbm4b:s29+s7], $0x80, $0x38;
	[tilespmem:$0x1C400] =	vst v63  }
0x91: {  	p1 =	seq.s32 s26, $0x0;
	s29 =	sadd.s32 $0x20, s30  }
0x92: {  	[tilespmem:s14], [sflag:$0x3] =	stream.linear.gather [hbm4b:s29+s7], $0x80, $0x38;
	[tilespmem:$0x1C400] =	vst v63  }
0x93: {  	s29 =	simm.s32 @!p1 $0x8  }
0x94: {  	_ =	swait.ge @!p1 [sflag:s29], $0x4000  }
0x95: {  	[sflag:s29] =	ssyncset.done @!p1 $0x0  }
0x96: {  	[sflag:s29] =	ssyncadd.s32 @!p1 $0xFFFFC000  }
0x97: {  	_ =	swait.ge [sflag:s15], $0x80  }
0x98: {  	[sflag:s15] =	ssyncset.done $0x0  }
0x99: {  	[sflag:s15] =	ssyncadd.s32 $0xFFFFFF80  }
0x9a: {  	_ =	swait.ge [sflag:s15], $0x80  }
0x9b: {  	[sflag:s15] =	ssyncset.done $0x0  }
0x9c: {  	[sflag:s15] =	ssyncadd.s32 $0xFFFFFF80  }
0x9d: {  	[tilespmem:s16], [sflag:$0x6] =	stream.indirect.gather [hbm4b:s4+s8], $0x80, s8, s8, $0xb8;
	[tilespmem:$0x1C400] =	vst v63  }
0x9e: {  	_ =	swait.ge [sflag:s17], $0x4000  }
0x9f: {  	[sflag:s17] =	ssyncset.done $0x0  }
0xa0: {  	s28 =	sadd.s32 $0x30, s28;
	[sflag:s17] =	ssyncadd.s32 $0xFFFFC000  }
0xa1: {  	[spmem:s2] =	stream.indirect.scatter.add.f32 [tilespmem:s6], [sflag:$0x7], $0x80, s9, s8, $0xb8;
	[tilespmem:$0x1C400] =	vst v63  }
0xa2: {  	s29 =	sadd.s32 $0x30, s30  }
0xa3: {  	[tilespmem:s18], [sflag:$0x4] =	stream.linear.gather [hbm4b:s28+s7], $0x80, $0x38;
	[tilespmem:$0x1C400] =	vst v63  }
0xa4: {  	_ = 	snop  }
0xa5: {  	[tilespmem:s19], [sflag:$0x4] =	stream.linear.gather [hbm4b:s29+s7], $0x80, $0x38;
	[tilespmem:$0x1C400] =	vst v63  }
0xa6: {  	_ =	swait.ge [sflag:s20], $0x4000  }
0xa7: {  	[sflag:s20] =	ssyncset.done $0x0  }
0xa8: {  	[sflag:s20] =	ssyncadd.s32 $0xFFFFC000  }
0xa9: {  	_ =	swait.ge [sflag:s21], $0x80  }
0xaa: {  	[sflag:s21] =	ssyncset.done $0x0  }
0xab: {  	[sflag:s21] =	ssyncadd.s32 $0xFFFFFF80  }
0xac: {  	_ =	swait.ge [sflag:s21], $0x80  }
0xad: {  	[sflag:s21] =	ssyncset.done $0x0  }
0xae: {  	[sflag:s21] =	ssyncadd.s32 $0xFFFFFF80  }
0xaf: {  	[tilespmem:s6], [sflag:$0x5] =	stream.indirect.gather [hbm4b:s4+s8], $0x80, s13, s8, $0xb8;
	[tilespmem:$0x1C400] =	vst v63  }
0xb0: {  	_ =	swait.ge [sflag:s22], $0x4000  }
0xb1: {  	p1 =	seq.s32 s26, $0x9C0;
	[sflag:s22] =	ssyncset.done $0x0  }
0xb2: {  	s28 =	simm.s32 @!p1 $0x0;
	s29 =	sadd.s32 @!p1 s26, s11;
	[sflag:s22] =	ssyncadd.s32 $0xFFFFC000  }
0xb3: {  	[spmem:s2] =	stream.indirect.scatter.add.f32 [tilespmem:s16], [sflag:$0x8], $0x80, s10, s8, $0xb8;
	[tilespmem:$0x1C400] =	vst v63  }
0xb4: {  	s31 =	simm.s32 @!p1 $0x200;
	s26 =	sadd.s32 @!p1 s26, s12;
	s30 =	sadd.s32 @!p1 $0x40, s29  }
0xb5: {  	[tilespmem:s28], [sflag:$0x1] =	stream.linear.gather @!p1 [hbm4b:s30+s28], $0x80, $0x38;
	[tilespmem:$0x1C400] =	vst v63  }
0xb6: {  	s29 =	sadd.s32 @!p1 $0x50, s29;
	s30 =	sadd.s32 @!p1 $0x40, s26;
	s26 =	sadd.s32 @!p1 $0x50, s26  }
0xb7: {  	[tilespmem:s31], [sflag:$0x1] =	stream.linear.gather @!p1 [hbm4b:s30+s28], $0x80, $0x38;
	[tilespmem:$0x1C400] =	vst v63  }
0xb8: {  	_ =	swait.ge [sflag:s23], $0x4000  }
0xb9: {  	[sflag:s23] =	ssyncset.done $0x0  }
0xba: {  	[sflag:s23] =	ssyncadd.s32 $0xFFFFC000  }
0xbb: {  	_ =	swait.ge [sflag:s24], $0x80  }
0xbc: {  	[sflag:s24] =	ssyncset.done $0x0  }
0xbd: {  	[sflag:s24] =	ssyncadd.s32 $0xFFFFFF80  }
0xbe: {  	_ =	swait.ge [sflag:s24], $0x80  }
0xbf: {  	[sflag:s24] =	ssyncset.done $0x0  }
0xc0: {  	[sflag:s24] =	ssyncadd.s32 $0xFFFFFF80  }
0xc1: {  	[tilespmem:s16], [sflag:$0x6] =	stream.indirect.gather [hbm4b:s4+s8], $0x80, s18, s8, $0xb8;
	[tilespmem:$0x1C400] =	vst v63  }
0xc2: {  	_ =	swait.ge [sflag:s17], $0x4000  }
0xc3: {  	[sflag:s17] =	ssyncset.done $0x0  }
0xc4: {  	s30 =	simm.s32 @!p1 $0x80;
	[sflag:s17] =	ssyncadd.s32 $0xFFFFC000  }
0xc5: {  	[spmem:s2] =	stream.indirect.scatter.add.f32 [tilespmem:s6], [sflag:$0x7], $0x80, s14, s8, $0xb8;
	[tilespmem:$0x1C400] =	vst v63  }
0xc6: {  	s31 =	simm.s32 @!p1 $0x280  }
0xc7: {  	[tilespmem:s30], [sflag:$0x2] =	stream.linear.gather @!p1 [hbm4b:s29+s28], $0x80, $0x38;
	[tilespmem:$0x1C400] =	vst v63  }
0xc8: {  	s29 =	simm.s32 @!p1 $0x7  }
0xc9: {  	[tilespmem:s31], [sflag:$0x2] =	stream.linear.gather @!p1 [hbm4b:s26+s28], $0x80, $0x38;
	[tilespmem:$0x1C400] =	vst v63  }
0xca: {  	_ =	swait.ge @!p1 [sflag:s29], $0x4000  }
0xcb: {  	s26 =	simm.s32 @!p1 $0x1;
	[sflag:s29] =	ssyncset.done @!p1 $0x0  }
0xcc: {  	[sflag:s29] =	ssyncadd.s32 @!p1 $0xFFFFC000  }
0xcd: {  	_ =	swait.ge @!p1 [sflag:s26], $0x80  }
0xce: {  	[sflag:s26] =	ssyncset.done @!p1 $0x0  }
0xcf: {  	[sflag:s26] =	ssyncadd.s32 @!p1 $0xFFFFFF80  }
0xd0: {  	_ =	swait.ge @!p1 [sflag:s26], $0x80  }
.Ltmp2:
0xd1: {  	s29 =	simm.s32 @!p1 $0x400;
	[sflag:s26] =	ssyncset.done @!p1 $0x0;
	(pc) =	sbr.rel @p0 .LBB2_4-.Ltmp2, $4  }
0xd2: {  	[sflag:s26] =	ssyncadd.s32 @!p1 $0xFFFFFF80  }
0xd3: {  	[tilespmem:s29], [sflag:$0x5] =	stream.indirect.gather @!p1 [hbm4b:s4+s30], $0x80, s28, s30, $0xb8;
	[tilespmem:$0x1C400] =	vst v63  }
0xd4: {  	_ =	swait.ge [sflag:s22], $0x4000  }
0xd5: {  	[sflag:s22] =	ssyncset.done $0x0  }
0xd6: {  	[sflag:s22] =	ssyncadd.s32 $0xFFFFC000;
	s28 =	simm.s32 $0x7  }
0xd7: {  	[spmem:s2] =	stream.indirect.scatter.add.f32 [tilespmem:s16], [sflag:$0x8], $0x80, s19, s8, $0xb8;
	[tilespmem:$0x1C400] =	vst v63  }
0xd8: {  	_ =	swait.ge [sflag:s28], $0x4000  }
0xd9: {  	[sflag:s28] =	ssyncset.done $0x0  }
0xda: {  	s29 =	simm.s32 $0x8;
	[sflag:s28] =	ssyncadd.s32 $0xFFFFC000  }
0xdb: {  	_ =	swait.ge [sflag:s29], $0x4000  }
0xdc: {  	[sflag:s29] =	ssyncset.done $0x0  }
0xdd: {  	s30 =	sshll.u32 s1, $0x6;
	s3 =	sshrl.u32 s3, $0x3;
	[sflag:s29] =	ssyncadd.s32 $0xFFFFC000  }
0xde: {  	s31 =	simm.s32 $0x9;
	s2 =	sor.u32 $0x1C09, s30;
	[bflag:$0x0] =	sbarrier.arrive $0xFFFF  }
0xdf: {  	[hbm:s5], [sflag:s2] =	dma.local [spmem:s3], $0x2800  }
0xe0: {  	_ =	swait.ge [sflag:s31], $0x2800  }
0xe1: {  	[sflag:s31] =	ssyncset.done $0x0  }
0xe2: {  	[sflag:s31] =	ssyncadd.s32 $0xFFFFD800  }
.LBB2_6:
0xe3: {  	_ =	sfence.sel $0x180000  }
0xe4: {  	[bflag:$0x0] =	sbarrier.arrive $0xFFFF  }
0xe5: {  	p0 =	sne.s32 s1, $0x0;
	_ =	strace $0x9000004A  }
0xe6: {  	s0 =	sadd.s32 @!p0 $0x100000, s0;
	[bflag:$0x2] =	sbarrier.arrive $0xFFFF  }
0xe7: {  	[sflag:s0] =	ssyncadd.tile.s32 @!p0 $0x1;
	_ =	shalt  }
.Lfunc_end2:
_tile_overlayer_lowered:
.L_overlay_start_2:
0xe8: {  	(tag) =	ssettag $0x2  }
0xe9: {  	s0 =	rddreg [dreg:$0x0];
	s2 =	stileid.u32  }
0xea: {  	s1 =	rddreg [dreg:$0x1];
	p0 =	sne.s32 s2, $0x0  }
0xeb: {  	s3 =	rddreg [dreg:$0x2];
	[bflag:$0x3] =	sbarrier.arrive $0xFFFF;
	s2 =	simm.s32 @!p0 $0x1C09  }
0xec: {  	[timem:s3], [sflag:s2] =	dma.local @!p0 [hbm:s0], s1  }
0xed: {  	s0 =	simm.s32 @!p0 $0x9  }
0xee: {  	_ =	swait.ge @!p0 [sflag:s0], s1  }
0xef: {  	s1 =	ssub.s32 @!p0 $0x0, s1;
	[sflag:s0] =	ssyncset.done @!p0 $0x0  }
0xf0: {  	[sflag:s0] =	ssyncadd.s32 @!p0 s1  }
0xf1: {  	[bflag:$0x3] =	sbarrier.arrive $0xFFFF  }
0xf2: {  	_ =	shalt  }

// kernel: kernel.8.cloned.1.call-start
scs
__scs_entry_jumppad:
0x0: {  	(pc) =	sbr.rel $0x88, $3  }
0x1: {  	(tag) =	ssettag $0x0;
	lr =	simm.s32 $0x1  }
0x2: {  	[smem:$0x3F96] =	sst lr;
	_ =	strace $0xD0000000  }
0x3: {  	_ = 	snop  }
0x4: {  	_ = 	snop  }
0x5: {  	_ = 	snop  }
0x6: {  	_ = 	snop  }
0x7: {  	_ = 	snop  }
__scs_overlays_trampoline_lowered:
0x8: {  	[smem:$0x3FA5] =	sst s0  }
0x9: {  	[smem:$0x3FA6] =	sst s1  }
0xa: {  	[smem:$0x3FA7] =	sst s2  }
0xb: {  	[smem:$0x3FA8] =	sst s3  }
0xc: {  	[smem:$0x3FA9] =	sst s4  }
0xd: {  	[smem:$0x3FAA] =	sst s5  }
0xe: {  	[smem:$0x3FAB] =	sst s6  }
0xf: {  	[smem:$0x3FAC] =	sst s7  }
0x10: {  	[smem:$0x3FAD] =	sst s8  }
0x11: {  	[smem:$0x3FAE] =	sst s9;
	s0 =	simm.s32 @!p0 $0x0  }
0x12: {  	s1 =	sld [smem:$0x3F94];
	s0 =	simm.s32 @p0 $0x1  }
0x13: {  	[smem:$0x3FAF] =	sst s0;
	s0 =	simm.s32 @!p1 $0x0  }
0x14: {  	s2 =	sld [smem:$0x3F93];
	s0 =	simm.s32 @p1 $0x1  }
0x15: {  	[smem:$0x3FB0] =	sst s0;
	s0 =	simm.s32 @!p2 $0x0  }
0x16: {  	s3 =	sld [smem:$0x3FDB];
	s0 =	simm.s32 @p2 $0x1  }
0x17: {  	s4 =	simm.s32 $0x1BF5;
	[smem:$0x3FB2] =	sst s0  }
0x18: {  	s0 =	sld [smem:$0x3F95];
	_ =	swait.ge [sflag:s4], $0x0  }
0x19: {  	s7 =	sld [smem:$0x3F96]  }
0x1a: {  	s8 =	sadd.s32 $0xFFFFE003, lr  }
0x1b: {  	s9 =	sadd.s32 $0xFFFFFEF7, lr;
	s5 =	simm.s32 $0xFFFFFFFF;
	p2 =	slt.u32 s8, $0xFFFFF086  }
0x1c: {  	p1 =	slt.u32 s9, $0xF7A;
	s5 =	simm.s32 @!p2 $0x0  }
0x1d: {  	s5 =	simm.s32 @p1 $0x1;
	p0 =	seq.s32 s7, s2  }
0x1e: {  	s7 =	smul.u32 @!p0 $0xF7A, s2;
	p2 =	seq.s32 @!p0 s5, $0x0  }
0x1f: {  	s9 =	smul.u32 $0xF7A, s1;
	s8 =	simm.s32 @!p0 $0x1BF5;
	p2 =	por !p2, p0  }
0x20: {  	[sflag:s8] =	ssyncset.s32 @!p0 $0xFFFFF086;
	s6 =	sadd.s32 @!p0 s3, s7;
	s7 =	simm.s32 @!p0 $0x108  }
0x21: {  	s3 =	sadd.s32 s3, s9;
	s6 =	sadd.s32 @!p0 $0x88, s6;
	s7 =	simm.s32 @p2 $0x1082  }
0x22: {  	[simem:s7], [sflag:s8] =	dma.local @!p0 [hbm:s6], $0xF7A  }
0x23: {  	s9 =	sor.u32 $0xD0000000, s2;
	s6 =	simm.s32 $0x108;
	_ =	swait.ge @!p0 [sflag:s8], $0x0  }
0x24: {  	s3 =	sadd.s32 $0x88, s3;
	s6 =	simm.s32 @!p1 $0x1082;
	[sflag:s4] =	ssyncset.s32 $0xFFFFF086  }
0x25: {  	[simem:s6], [sflag:s4] =	dma.local [hbm:s3], $0xF7A  }
0x26: {  	[smem:$0x3F96] =	sst s1;
	(tag) =	ssettag s2;
	_ =	strace s9  }
0x27: {  	s1 =	sld [smem:$0x3FA6]  }
0x28: {  	s2 =	sld [smem:$0x3FA7]  }
0x29: {  	s4 =	sld [smem:$0x3FA9]  }
0x2a: {  	p0 =	seq.s32 s5, $0x0;
	s5 =	sld [smem:$0x3FAA]  }
0x2b: {  	s6 =	sld [smem:$0x3FAB]  }
0x2c: {  	s7 =	sld [smem:$0x3FAC]  }
0x2d: {  	s3 =	simm.s32 $0x108;
	s8 =	sld [smem:$0x3FAD]  }
0x2e: {  	s3 =	simm.s32 @!p0 $0x1082;
	s9 =	sld [smem:$0x3FAE]  }
0x2f: {  	lr =	sadd.s32 s0, s3;
	s0 =	sld [smem:$0x3FA5]  }
0x30: {  	s3 =	sld [smem:$0x3FA8]  }
0x31: {  	[smem:$0x3FB1] =	sst s10  }
0x32: {  	s10 =	sld [smem:$0x3FAF];
	_ =	sdelay $0x3  }
0x33: {  	p0 =	seq.s32 s10, $0x1;
	s10 =	sld [smem:$0x3FB1];
	_ =	sdelay $0x3  }
0x34: {  	[smem:$0x3FB1] =	sst s10  }
0x35: {  	s10 =	sld [smem:$0x3FB0];
	_ =	sdelay $0x3  }
0x36: {  	p1 =	seq.s32 s10, $0x1;
	s10 =	sld [smem:$0x3FB1];
	_ =	sdelay $0x3  }
0x37: {  	[smem:$0x3FB1] =	sst s10  }
0x38: {  	s10 =	sld [smem:$0x3FB2]  }
0x39: {  	_ = 	snop;
	(pc) =	sbr.ind lr, $3  }
0x3a: {  	_ = 	snop  }
0x3b: {  	_ = 	snop  }
0x3c: {  	p2 =	seq.s32 s10, $0x1;
	s10 =	sld [smem:$0x3FB1]  }
0x3d: {  	_ =	shalt  }
0x3e: {  	_ =	shalt  }
0x3f: {  	_ =	shalt  }
0x40: {  	_ =	shalt  }
0x41: {  	_ =	shalt  }
0x42: {  	_ =	shalt  }
0x43: {  	_ =	shalt  }
0x44: {  	_ =	shalt  }
0x45: {  	_ =	shalt  }
0x46: {  	_ =	shalt  }
0x47: {  	_ =	shalt  }
0x48: {  	_ =	shalt  }
0x49: {  	_ =	shalt  }
0x4a: {  	_ =	shalt  }
0x4b: {  	_ =	shalt  }
0x4c: {  	_ =	shalt  }
0x4d: {  	_ =	shalt  }
0x4e: {  	_ =	shalt  }
0x4f: {  	_ =	shalt  }
0x50: {  	_ =	shalt  }
0x51: {  	_ =	shalt  }
0x52: {  	_ =	shalt  }
0x53: {  	_ =	shalt  }
0x54: {  	_ =	shalt  }
0x55: {  	_ =	shalt  }
0x56: {  	_ =	shalt  }
0x57: {  	_ =	shalt  }
0x58: {  	_ =	shalt  }
0x59: {  	_ =	shalt  }
0x5a: {  	_ =	shalt  }
0x5b: {  	_ =	shalt  }
0x5c: {  	_ =	shalt  }
0x5d: {  	_ =	shalt  }
0x5e: {  	_ =	shalt  }
0x5f: {  	_ =	shalt  }
0x60: {  	_ =	shalt  }
0x61: {  	_ =	shalt  }
0x62: {  	_ =	shalt  }
0x63: {  	_ =	shalt  }
0x64: {  	_ =	shalt  }
0x65: {  	_ =	shalt  }
0x66: {  	_ =	shalt  }
0x67: {  	_ =	shalt  }
0x68: {  	_ =	shalt  }
0x69: {  	_ =	shalt  }
0x6a: {  	_ =	shalt  }
0x6b: {  	_ =	shalt  }
0x6c: {  	_ =	shalt  }
0x6d: {  	_ =	shalt  }
0x6e: {  	_ =	shalt  }
0x6f: {  	_ =	shalt  }
0x70: {  	_ =	shalt  }
0x71: {  	_ =	shalt  }
0x72: {  	_ =	shalt  }
0x73: {  	_ =	shalt  }
0x74: {  	_ =	shalt  }
0x75: {  	_ =	shalt  }
0x76: {  	_ =	shalt  }
0x77: {  	_ =	shalt  }
0x78: {  	_ =	shalt  }
0x79: {  	_ =	shalt  }
0x7a: {  	_ =	shalt  }
0x7b: {  	_ =	shalt  }
0x7c: {  	_ =	shalt  }
0x7d: {  	_ =	shalt  }
0x7e: {  	_ =	shalt  }
0x7f: {  	_ =	shalt  }
0x80: {  	_ =	shalt  }
0x81: {  	_ =	shalt  }
0x82: {  	_ =	shalt  }
0x83: {  	_ =	shalt  }
0x84: {  	_ =	shalt  }
0x85: {  	_ =	shalt  }
0x86: {  	_ =	shalt  }
0x87: {  	_ =	shalt  }
.Lfunc_end0:
.L_simem_size_0:
called_computation_lowered:
.L_overlay_start_0:
0x88: {  	s2 =	sld [smem:$0x3FD9]  }
0x89: {  	s3 =	sld [smem:$0x3FFE];
	_ =	sdelay $0x1  }
0x8a: {  	s1 =	srdreg.scid  }
0x8b: {  	s0 =	sand.u32 $0x1, s1  }
0x8c: {  	s16 =	sshll.u32 s0, $0xA;
	s2 =	sadd.s32 s3, s2  }
0x8d: {  	s2 =	sadd.s32 s2, s16  }
0x8e: {  	[smem:$0x3FBD] =	sst s2  }
0x8f: {  	_ = 	snop  }
0x90: {  	(tm) =	ssettm $0x1  }
0x91: {  	s17 =	sld [smem:$0x3FFB];
	_ =	sdelay $0x3  }
0x92: {  	_ =	strace s17  }
0x93: {  	s2 =	sld [smem:$0x3FFC];
	_ =	sdelay $0x3  }
0x94: {  	_ =	strace s2  }
0x95: {  	s2 =	sld [smem:$0x3FFD];
	_ =	sdelay $0x3  }
0x96: {  	_ =	strace s2  }
0x97: {  	_ =	strace $0x8FFFFFFF  }
0x98: {  	s18 =	sld [smem:$0x3FDB];
	_ =	sdelay $0x1  }
0x99: {  	s19 =	simm.s32 $_scs_section_size  }
0x9a: {  	s4 =	simm.s32 $_size__tile_overlayer_lowered;
	s5 =	simm.s32 $_tile_overlayer_lowered  }
0x9b: {  	s22 =	simm.s32 $0x1BFF;
	s21 =	sshll.u32 s5, $0x1;
	s2 =	sadd.s32 s19, s18  }
0x9c: {  	s6 =	simm.s32 $0x0;
	s20 =	sshll.u32 s4, $0x1;
	s4 =	sadd.s32 s21, s2  }
0x9d: {  	[timem:s6], [sflag:s22] =	dma.local [hbm:s4], s20  }
0x9e: {  	_ =	swait.ge [sflag:s22], s20  }
0x9f: {  	s3 =	ssub.s32 $0x0, s20;
	[sflag:s22] =	ssyncset.done $0x0  }
0xa0: {  	[sflag:s22] =	ssyncadd.s32 s3;
	_ =	sdelay $0x1  }
0xa1: {  	s23 =	simm.s32 $0x1B8B  }
0xa2: {  	_ =	swait.ge [sflag:s23], $0x1  }
0xa3: {  	[sflag:s23] =	ssyncset.done $0x0  }
0xa4: {  	s25 =	simm.s32 $0x1B8E;
	s24 =	sld [smem:$0x3FFE];
	[sflag:s23] =	ssyncadd.s32 $0xFFFFFFFF  }
0xa5: {  	s26 =	simm.s32 $execute0_lowered;
	[smem:$0x3FD2] =	sst s25  }
0xa6: {  	s4 =	sshll.u32 s26, $0x1;
	_ =	strace $0x80000046;
	[dreg:$0x1] =	wrdreg $0xFFFFFFFF  }
0xa7: {  	s28 =	simm.s32 $_size_execute0_lowered;
	s2 =	sadd.s32 s2, s4;
	[dreg:$0x0] =	wrdreg $0x0  }
0xa8: {  	s4 =	sshll.u32 s28, $0x1;
	[dreg:$0x2] =	wrdreg s2  }
0xa9: {  	[dreg:$0x3] =	wrdreg s4  }
0xaa: {  	[dreg:$0x4] =	wrdreg $0xC0  }
0xab: {  	_ =	task [dreg:s6], $0x5FFFF  }
0xac: {  	[dreg:$0x1] =	wrdreg $0xFFFFFFFF  }
0xad: {  	[dreg:$0x0] =	wrdreg $0x60  }
0xae: {  	[dreg:$0x2] =	wrdreg s24  }
0xaf: {  	[dreg:$0x3] =	wrdreg $0x84000  }
0xb0: {  	[dreg:$0x4] =	wrdreg $0x9  }
0xb1: {  	_ =	task.clear_ibuf [dreg:s6], $0x5FFFF;
	_ =	strace $0x90000046  }
0xb2: {  	s29 =	simm.s32 $0x9;
	_ =	strace $0x80000048  }
0xb3: {  	_ =	swait.ge [sflag:s29], $0x1  }
0xb4: {  	[sflag:s29] =	ssyncadd.s32 $0xFFFFFFFF  }
0xb5: {  	_ =	strace $0x90000048  }
0xb6: {  	_ =	sfence  }
0xb7: {  	s30 =	sld [smem:$0x0];
	_ =	sdelay $0x2  }
0xb8: {  	s31 =	sshll.u32 s1, $0xD;
	s1 =	sshrl.u32 s1, $0x2  }
0xb9: {  	s3 =	sand.u32 $0x4000, s31;
	s1 =	sadd.s32 s1, s30  }
0xba: {  	s0 =	sor.u32 s3, s0;
	s1 =	sshll.u32 s1, $0x11  }
0xbb: {  	s0 =	sor.u32 s1, s0  }
0xbc: {  	s0 =	sadd.s32 $0x8F2B, s0  }
0xbd: {  	[sflag:s0] =	ssyncadd.remote.s32 $0x1  }
0xbe: {  	_ =	sfence.sel $0xFFFF  }
0xbf: {  	[dreg:$0x0] =	wrdreg $0xFFFFFFFF;
	(pc) =	sbr.abs _section_cstart, $3  }
0xc0: {  	[dreg:$0x1] =	wrdreg $0xFFFFFFFF  }
0xc1: {  	_ =	task.clear_ibuf [dreg:s6], $0x2FFFF;
	_ =	strace $0x9FFFFFFF  }
0xc2: {  	(tm) =	ssettm $0x7FFFFFFF  }
0xc3: {  	_ =	shalt  }
tec
execute0_lowered:
.L_overlay_start_1:
0x0: {  	(tag) =	ssettag $0x1  }
0x1: {  	s1 =	srdreg.scid  }
0x2: {  	s1 =	sand.u32 $0x1, s1  }
0x3: {  	p0 =	seq.s32 s1, $0x1  }
.Ltmp0:
0x4: {  	_ = 	snop;
	(pc) =	sbr.rel @p0 .LBB2_6-.Ltmp0, $4  }
0x5: {  	s5 =	rddreg [dreg:$0x0]  }
0x6: {  	s2 =	rddreg [dreg:$0x1];
	s3 =	simm.s32 $0x0  }
0x7: {  	[smem:$0x7FF] =	sst s3  }
0x8: {  	s0 =	rddreg [dreg:$0x2];
	_ =	strace $0x80000047;
	s1 =	stileid.u32  }
0x9: {  	s3 =	smul.u32 $0x50000, s1  }
0xa: {  	s6 =	smul.u32 $0x2800, s1  }
0xb: {  	s11 =	sadd.s32 $0x13A800, s5;
	s7 =	smul.u32 $0x5000, s1  }
0xc: {  	s4 =	sadd.s32 $0x2000, s5;
	s12 =	sadd.s32 $0x144800, s5;
	s17 =	simm.s32 $0x200  }
0xd: {  	s3 =	sshrl.u32 s3, $0x2;
	s30 =	sadd.s32 s6, s5;
	s31 =	sshrl.u32 s7, $0x3  }
0xe: {  	s6 =	simm.s32 $0x0;
	s3 =	sadd.s32 s3, s2;
	s8 =	sadd.s32 s11, s31  }
0xf: {  	s13 =	sor.u32 $0x10, s31;
	s14 =	sadd.s32 s12, s31;
	s5 =	sadd.s32 $0x14E800, s30  }
0x10: {  	s16 =	sadd.s32 $0x4000, s3;
	s15 =	sadd.s32 $0x8000, s3;
	s9 =	sadd.s32 $0xC000, s3  }
0x11: {  	v0 =	vimm.f32 $0.0e+00;
	s7 =	sadd.s32 $0x10000, s3;
	s10 =	sadd.s32 s11, s13;
	s13 =	sadd.s32 s12, s13  }
.LBB2_2:
0x12: {  	p0 =	sne.s32 s17, $0xFE00;
	[tilespmem:s6+$0x470] =	vst v0  }
0x13: {  	[tilespmem:s6+$0x400] =	vst v0  }
0x14: {  	[tilespmem:s6+$0x410] =	vst v0  }
.Ltmp1:
0x15: {  	[tilespmem:s6+$0x420] =	vst v0;
	(pc) =	sbr.rel @p0 .LBB2_2-.Ltmp1, $4  }
0x16: {  	[tilespmem:s6+$0x430] =	vst v0  }
0x17: {  	[tilespmem:s6+$0x440] =	vst v0  }
0x18: {  	[tilespmem:s6+$0x450] =	vst v0  }
0x19: {  	[tilespmem:s6+$0x460] =	vst v0;
	s6 =	sshra.s32 s17, $0x2;
	s17 =	sadd.s32 $0x200, s17  }
0x1a: {  	[tilespmem:s6+$0x470] =	vst v0  }
0x1b: {  	[tilespmem:s6+$0x400] =	vst v0  }
0x1c: {  	[tilespmem:s6+$0x410] =	vst v0  }
0x1d: {  	[tilespmem:s6+$0x420] =	vst v0  }
0x1e: {  	[tilespmem:s6+$0x430] =	vst v0  }
0x1f: {  	[tilespmem:s6+$0x440] =	vst v0  }
0x20: {  	[tilespmem:s6+$0x450] =	vst v0  }
0x21: {  	[tilespmem:s6+$0x460] =	vst v0;
	s6 =	simm.s32 $0x400;
	s17 =	simm.s32 $0x9  }
0x22: {  	[spmem:s3] =	stream.linear.scatter [tilespmem:s6], [sflag:$0x9], $0x4000, $0x38;
	[tilespmem:$0x1C400] =	vst v63  }
0x23: {  	_ =	swait.ge [sflag:s17], $0x4000  }
0x24: {  	[sflag:s17] =	ssyncset.done $0x0  }
0x25: {  	[sflag:s17] =	ssyncadd.s32 $0xFFFFC000  }
0x26: {  	[spmem:s16] =	stream.linear.scatter [tilespmem:s6], [sflag:$0x9], $0x4000, $0x38;
	[tilespmem:$0x1C400] =	vst v63  }
0x27: {  	_ =	swait.ge [sflag:s17], $0x4000  }
0x28: {  	[sflag:s17] =	ssyncset.done $0x0  }
0x29: {  	[sflag:s17] =	ssyncadd.s32 $0xFFFFC000  }
0x2a: {  	[spmem:s15] =	stream.linear.scatter [tilespmem:s6], [sflag:$0x9], $0x4000, $0x38;
	[tilespmem:$0x1C400] =	vst v63  }
0x2b: {  	_ =	swait.ge [sflag:s17], $0x4000  }
0x2c: {  	[sflag:s17] =	ssyncset.done $0x0  }
0x2d: {  	[sflag:s17] =	ssyncadd.s32 $0xFFFFC000  }
0x2e: {  	[spmem:s9] =	stream.linear.scatter [tilespmem:s6], [sflag:$0x9], $0x4000, $0x38;
	[tilespmem:$0x1C400] =	vst v63  }
0x2f: {  	_ =	swait.ge [sflag:s17], $0x4000  }
0x30: {  	[sflag:s17] =	ssyncset.done $0x0  }
0x31: {  	[sflag:s17] =	ssyncadd.s32 $0xFFFFC000  }
0x32: {  	[spmem:s7] =	stream.linear.scatter [tilespmem:s6], [sflag:$0x9], $0x4000, $0x38;
	[tilespmem:$0x1C400] =	vst v63  }
0x33: {  	_ =	swait.ge [sflag:s17], $0x4000  }
0x34: {  	[sflag:s17] =	ssyncset.done $0x0  }
0x35: {  	[sflag:s17] =	ssyncadd.s32 $0xFFFFC000  }
0x36: {  	s7 =	simm.s32 $0x0;
	[bflag:$0x0] =	sbarrier.arrive $0xFFFF  }
0x37: {  	[tilespmem:s7], [sflag:$0x1] =	stream.linear.gather [hbm4b:s8+s7], $0x80, $0x38;
	[tilespmem:$0x1C400] =	vst v63  }
0x38: {  	s9 =	simm.s32 $0x200  }
0x39: {  	[tilespmem:s9], [sflag:$0x1] =	stream.linear.gather [hbm4b:s14+s7], $0x80, $0x38;
	[tilespmem:$0x1C400] =	vst v63  }
0x3a: {  	s8 =	simm.s32 $0x80  }
0x3b: {  	[tilespmem:s8], [sflag:$0x2] =	stream.linear.gather [hbm4b:s10+s7], $0x80, $0x38;
	[tilespmem:$0x1C400] =	vst v63  }
0x3c: {  	s28 =	simm.s32 $0x1;
	s10 =	simm.s32 $0x280  }
0x3d: {  	[tilespmem:s10], [sflag:$0x2] =	stream.linear.gather [hbm4b:s13+s7], $0x80, $0x38;
	[tilespmem:$0x1C400] =	vst v63  }
0x3e: {  	_ =	swait.ge [sflag:s28], $0x80  }
0x3f: {  	[sflag:s28] =	ssyncset.done $0x0  }
0x40: {  	s29 =	smul.u32 $0xA00, s1;
	[sflag:s28] =	ssyncadd.s32 $0xFFFFFF80  }
0x41: {  	_ =	swait.ge [sflag:s28], $0x80  }
0x42: {  	p0 =	por $0x1, $0x1;
	s11 =	sadd.s32 s29, s11;
	[sflag:s28] =	ssyncset.done $0x0  }
0x43: {  	s12 =	sadd.s32 s29, s12;
	s19 =	sadd.s32 $0x0, s11;
	[sflag:s28] =	ssyncadd.s32 $0xFFFFFF80  }
0x44: {  	[tilespmem:s6], [sflag:$0x5] =	stream.indirect.gather [hbm4b:s4+s8], $0x80, s7, s8, $0xb8;
	[tilespmem:$0x1C400] =	vst v63  }
0x45: {  	s21 =	sadd.s32 $0x0, s12;
	s30 =	sadd.s32 $0x20, s19;
	s13 =	simm.s32 $0x100  }
0x46: {  	[tilespmem:s13], [sflag:$0x3] =	stream.linear.gather [hbm4b:s30+s7], $0x80, $0x38;
	[tilespmem:$0x1C400] =	vst v63  }
0x47: {  	s31 =	sadd.s32 $0x20, s21;
	s16 =	simm.s32 @!p0 $0x8;
	s14 =	simm.s32 $0x300  }
0x48: {  	[tilespmem:s14], [sflag:$0x3] =	stream.linear.gather [hbm4b:s31+s7], $0x80, $0x38;
	[tilespmem:$0x1C400] =	vst v63  }
0x49: {  	_ =	swait.ge @!p0 [sflag:s16], $0x4000  }
0x4a: {  	[sflag:s16] =	ssyncset.done @!p0 $0x0  }
0x4b: {  	s15 =	simm.s32 $0x2;
	[sflag:s16] =	ssyncadd.s32 @!p0 $0xFFFFC000  }
0x4c: {  	_ =	swait.ge [sflag:s15], $0x80  }
0x4d: {  	[sflag:s15] =	ssyncset.done $0x0  }
0x4e: {  	[sflag:s15] =	ssyncadd.s32 $0xFFFFFF80  }
0x4f: {  	_ =	swait.ge [sflag:s15], $0x80  }
0x50: {  	[sflag:s15] =	ssyncset.done $0x0  }
0x51: {  	s17 =	simm.s32 $0x5;
	s16 =	simm.s32 $0x4400;
	[sflag:s15] =	ssyncadd.s32 $0xFFFFFF80  }
0x52: {  	[tilespmem:s16], [sflag:$0x6] =	stream.indirect.gather [hbm4b:s4+s8], $0x80, s8, s8, $0xb8;
	[tilespmem:$0x1C400] =	vst v63  }
0x53: {  	_ =	swait.ge [sflag:s17], $0x4000  }
0x54: {  	[sflag:s17] =	ssyncset.done $0x0  }
0x55: {  	[sflag:s17] =	ssyncadd.s32 $0xFFFFC000  }
0x56: {  	[spmem:s2] =	stream.indirect.scatter.add.f32 [tilespmem:s6], [sflag:$0x7], $0x80, s9, s8, $0xb8;
	[tilespmem:$0x1C400] =	vst v63  }
0x57: {  	s18 =	simm.s32 $0x180;
	s19 =	sadd.s32 $0x30, s19  }
0x58: {  	[tilespmem:s18], [sflag:$0x4] =	stream.linear.gather [hbm4b:s19+s7], $0x80, $0x38;
	[tilespmem:$0x1C400] =	vst v63  }
0x59: {  	s20 =	simm.s32 $0x7;
	s21 =	sadd.s32 $0x30, s21;
	s19 =	simm.s32 $0x380  }
0x5a: {  	[tilespmem:s19], [sflag:$0x4] =	stream.linear.gather [hbm4b:s21+s7], $0x80, $0x38;
	[tilespmem:$0x1C400] =	vst v63  }
0x5b: {  	_ =	swait.ge [sflag:s20], $0x4000  }
0x5c: {  	[sflag:s20] =	ssyncset.done $0x0  }
0x5d: {  	s21 =	simm.s32 $0x3;
	[sflag:s20] =	ssyncadd.s32 $0xFFFFC000  }
0x5e: {  	_ =	swait.ge [sflag:s21], $0x80  }
0x5f: {  	[sflag:s21] =	ssyncset.done $0x0  }
0x60: {  	[sflag:s21] =	ssyncadd.s32 $0xFFFFFF80  }
0x61: {  	_ =	swait.ge [sflag:s21], $0x80  }
0x62: {  	[sflag:s21] =	ssyncset.done $0x0  }
0x63: {  	s22 =	simm.s32 $0x6;
	[sflag:s21] =	ssyncadd.s32 $0xFFFFFF80  }
0x64: {  	[tilespmem:s6], [sflag:$0x5] =	stream.indirect.gather [hbm4b:s4+s8], $0x80, s13, s8, $0xb8;
	[tilespmem:$0x1C400] =	vst v63  }
0x65: {  	_ =	swait.ge [sflag:s22], $0x4000  }
0x66: {  	p0 =	por $0x0, $0x0;
	[sflag:s22] =	ssyncset.done $0x0  }
0x67: {  	s25 =	sadd.s32 @!p0 $0x0, s11;
	[sflag:s22] =	ssyncadd.s32 $0xFFFFC000  }
0x68: {  	[spmem:s2] =	stream.indirect.scatter.add.f32 [tilespmem:s16], [sflag:$0x8], $0x80, s10, s8, $0xb8;
	[tilespmem:$0x1C400] =	vst v63  }
0x69: {  	s26 =	simm.s32 @!p0 $0x0;
	s28 =	sadd.s32 @!p0 $0x0, s12;
	s23 =	sadd.s32 @!p0 $0x40, s25  }
0x6a: {  	[tilespmem:s26], [sflag:$0x1] =	stream.linear.gather @!p0 [hbm4b:s23+s26], $0x80, $0x38;
	[tilespmem:$0x1C400] =	vst v63  }
0x6b: {  	s24 =	simm.s32 @!p0 $0x200;
	s29 =	sadd.s32 @!p0 $0x40, s28;
	s23 =	simm.s32 $0x8  }
0x6c: {  	[tilespmem:s24], [sflag:$0x1] =	stream.linear.gather @!p0 [hbm4b:s29+s26], $0x80, $0x38;
	[tilespmem:$0x1C400] =	vst v63  }
0x6d: {  	_ =	swait.ge [sflag:s23], $0x4000  }
0x6e: {  	[sflag:s23] =	ssyncset.done $0x0  }
0x6f: {  	s24 =	simm.s32 $0x4;
	[sflag:s23] =	ssyncadd.s32 $0xFFFFC000  }
0x70: {  	_ =	swait.ge [sflag:s24], $0x80  }
0x71: {  	[sflag:s24] =	ssyncset.done $0x0  }
0x72: {  	[sflag:s24] =	ssyncadd.s32 $0xFFFFFF80  }
0x73: {  	_ =	swait.ge [sflag:s24], $0x80  }
0x74: {  	[sflag:s24] =	ssyncset.done $0x0  }
0x75: {  	[sflag:s24] =	ssyncadd.s32 $0xFFFFFF80  }
0x76: {  	[tilespmem:s16], [sflag:$0x6] =	stream.indirect.gather [hbm4b:s4+s8], $0x80, s18, s8, $0xb8;
	[tilespmem:$0x1C400] =	vst v63  }
0x77: {  	_ =	swait.ge [sflag:s17], $0x4000  }
0x78: {  	[sflag:s17] =	ssyncset.done $0x0  }
0x79: {  	[sflag:s17] =	ssyncadd.s32 $0xFFFFC000  }
0x7a: {  	[spmem:s2] =	stream.indirect.scatter.add.f32 [tilespmem:s6], [sflag:$0x7], $0x80, s14, s8, $0xb8;
	[tilespmem:$0x1C400] =	vst v63  }
0x7b: {  	s25 =	sadd.s32 @!p0 $0x50, s25;
	s29 =	simm.s32 @!p0 $0x80  }
0x7c: {  	[tilespmem:s29], [sflag:$0x2] =	stream.linear.gather @!p0 [hbm4b:s25+s26], $0x80, $0x38;
	[tilespmem:$0x1C400] =	vst v63  }
0x7d: {  	s25 =	sadd.s32 @!p0 $0x50, s28;
	s28 =	simm.s32 @!p0 $0x280  }
0x7e: {  	[tilespmem:s28], [sflag:$0x2] =	stream.linear.gather @!p0 [hbm4b:s25+s26], $0x80, $0x38;
	[tilespmem:$0x1C400] =	vst v63  }
0x7f: {  	s25 =	simm.s32 @!p0 $0x7  }
0x80: {  	_ =	swait.ge @!p0 [sflag:s25], $0x4000  }
0x81: {  	[sflag:s25] =	ssyncset.done @!p0 $0x0  }
0x82: {  	[sflag:s25] =	ssyncadd.s32 @!p0 $0xFFFFC000;
	s25 =	simm.s32 @!p0 $0x1  }
0x83: {  	_ =	swait.ge @!p0 [sflag:s25], $0x80  }
0x84: {  	[sflag:s25] =	ssyncset.done @!p0 $0x0  }
0x85: {  	[sflag:s25] =	ssyncadd.s32 @!p0 $0xFFFFFF80  }
0x86: {  	_ =	swait.ge @!p0 [sflag:s25], $0x80  }
0x87: {  	[sflag:s25] =	ssyncset.done @!p0 $0x0  }
0x88: {  	[sflag:s25] =	ssyncadd.s32 @!p0 $0xFFFFFF80;
	s25 =	simm.s32 @!p0 $0x400  }
0x89: {  	[tilespmem:s25], [sflag:$0x5] =	stream.indirect.gather @!p0 [hbm4b:s4+s29], $0x80, s26, s29, $0xb8;
	[tilespmem:$0x1C400] =	vst v63  }
0x8a: {  	_ =	swait.ge [sflag:s22], $0x4000  }
0x8b: {  	s25 =	simm.s32 $0x40;
	[sflag:s22] =	ssyncset.done $0x0  }
.LBB2_4:
0x8c: {  	s28 =	sadd.s32 s25, s11  }
0x8d: {  	[sflag:s22] =	ssyncadd.s32 $0xFFFFC000;
	s26 =	smov.u32 s25;
	s25 =	sadd.s32 $0x40, s25  }
0x8e: {  	[spmem:s2] =	stream.indirect.scatter.add.f32 [tilespmem:s16], [sflag:$0x8], $0x80, s19, s8, $0xb8;
	[tilespmem:$0x1C400] =	vst v63  }
0x8f: {  	s29 =	sadd.s32 $0x20, s28;
	s30 =	sadd.s32 s26, s12;
	p0 =	sne.s32 s25, $0xA00  }
0x90: {  	[tilespmem:s13], [sflag:$0x3] =	stream.linear.gather [hbm4b:s29+s7], $0x80, $0x38;
	[tilespmem:$0x1C400] =	vst v63  }
0x91: {  	p1 =	seq.s32 s26, $0x0;
	s29 =	sadd.s32 $0x20, s30  }
0x92: {  	[tilespmem:s14], [sflag:$0x3] =	stream.linear.gather [hbm4b:s29+s7], $0x80, $0x38;
	[tilespmem:$0x1C400] =	vst v63  }
0x93: {  	s29 =	simm.s32 @!p1 $0x8  }
0x94: {  	_ =	swait.ge @!p1 [sflag:s29], $0x4000  }
0x95: {  	[sflag:s29] =	ssyncset.done @!p1 $0x0  }
0x96: {  	[sflag:s29] =	ssyncadd.s32 @!p1 $0xFFFFC000  }
0x97: {  	_ =	swait.ge [sflag:s15], $0x80  }
0x98: {  	[sflag:s15] =	ssyncset.done $0x0  }
0x99: {  	[sflag:s15] =	ssyncadd.s32 $0xFFFFFF80  }
0x9a: {  	_ =	swait.ge [sflag:s15], $0x80  }
0x9b: {  	[sflag:s15] =	ssyncset.done $0x0  }
0x9c: {  	[sflag:s15] =	ssyncadd.s32 $0xFFFFFF80  }
0x9d: {  	[tilespmem:s16], [sflag:$0x6] =	stream.indirect.gather [hbm4b:s4+s8], $0x80, s8, s8, $0xb8;
	[tilespmem:$0x1C400] =	vst v63  }
0x9e: {  	_ =	swait.ge [sflag:s17], $0x4000  }
0x9f: {  	[sflag:s17] =	ssyncset.done $0x0  }
0xa0: {  	s28 =	sadd.s32 $0x30, s28;
	[sflag:s17] =	ssyncadd.s32 $0xFFFFC000  }
0xa1: {  	[spmem:s2] =	stream.indirect.scatter.add.f32 [tilespmem:s6], [sflag:$0x7], $0x80, s9, s8, $0xb8;
	[tilespmem:$0x1C400] =	vst v63  }
0xa2: {  	s29 =	sadd.s32 $0x30, s30  }
0xa3: {  	[tilespmem:s18], [sflag:$0x4] =	stream.linear.gather [hbm4b:s28+s7], $0x80, $0x38;
	[tilespmem:$0x1C400] =	vst v63  }
0xa4: {  	_ = 	snop  }
0xa5: {  	[tilespmem:s19], [sflag:$0x4] =	stream.linear.gather [hbm4b:s29+s7], $0x80, $0x38;
	[tilespmem:$0x1C400] =	vst v63  }
0xa6: {  	_ =	swait.ge [sflag:s20], $0x4000  }
0xa7: {  	[sflag:s20] =	ssyncset.done $0x0  }
0xa8: {  	[sflag:s20] =	ssyncadd.s32 $0xFFFFC000  }
0xa9: {  	_ =	swait.ge [sflag:s21], $0x80  }
0xaa: {  	[sflag:s21] =	ssyncset.done $0x0  }
0xab: {  	[sflag:s21] =	ssyncadd.s32 $0xFFFFFF80  }
0xac: {  	_ =	swait.ge [sflag:s21], $0x80  }
0xad: {  	[sflag:s21] =	ssyncset.done $0x0  }
0xae: {  	[sflag:s21] =	ssyncadd.s32 $0xFFFFFF80  }
0xaf: {  	[tilespmem:s6], [sflag:$0x5] =	stream.indirect.gather [hbm4b:s4+s8], $0x80, s13, s8, $0xb8;
	[tilespmem:$0x1C400] =	vst v63  }
0xb0: {  	_ =	swait.ge [sflag:s22], $0x4000  }
0xb1: {  	p1 =	seq.s32 s26, $0x9C0;
	[sflag:s22] =	ssyncset.done $0x0  }
0xb2: {  	s28 =	simm.s32 @!p1 $0x0;
	s29 =	sadd.s32 @!p1 s26, s11;
	[sflag:s22] =	ssyncadd.s32 $0xFFFFC000  }
0xb3: {  	[spmem:s2] =	stream.indirect.scatter.add.f32 [tilespmem:s16], [sflag:$0x8], $0x80, s10, s8, $0xb8;
	[tilespmem:$0x1C400] =	vst v63  }
0xb4: {  	s31 =	simm.s32 @!p1 $0x200;
	s26 =	sadd.s32 @!p1 s26, s12;
	s30 =	sadd.s32 @!p1 $0x40, s29  }
0xb5: {  	[tilespmem:s28], [sflag:$0x1] =	stream.linear.gather @!p1 [hbm4b:s30+s28], $0x80, $0x38;
	[tilespmem:$0x1C400] =	vst v63  }
0xb6: {  	s29 =	sadd.s32 @!p1 $0x50, s29;
	s30 =	sadd.s32 @!p1 $0x40, s26;
	s26 =	sadd.s32 @!p1 $0x50, s26  }
0xb7: {  	[tilespmem:s31], [sflag:$0x1] =	stream.linear.gather @!p1 [hbm4b:s30+s28], $0x80, $0x38;
	[tilespmem:$0x1C400] =	vst v63  }
0xb8: {  	_ =	swait.ge [sflag:s23], $0x4000  }
0xb9: {  	[sflag:s23] =	ssyncset.done $0x0  }
0xba: {  	[sflag:s23] =	ssyncadd.s32 $0xFFFFC000  }
0xbb: {  	_ =	swait.ge [sflag:s24], $0x80  }
0xbc: {  	[sflag:s24] =	ssyncset.done $0x0  }
0xbd: {  	[sflag:s24] =	ssyncadd.s32 $0xFFFFFF80  }
0xbe: {  	_ =	swait.ge [sflag:s24], $0x80  }
0xbf: {  	[sflag:s24] =	ssyncset.done $0x0  }
0xc0: {  	[sflag:s24] =	ssyncadd.s32 $0xFFFFFF80  }
0xc1: {  	[tilespmem:s16], [sflag:$0x6] =	stream.indirect.gather [hbm4b:s4+s8], $0x80, s18, s8, $0xb8;
	[tilespmem:$0x1C400] =	vst v63  }
0xc2: {  	_ =	swait.ge [sflag:s17], $0x4000  }
0xc3: {  	[sflag:s17] =	ssyncset.done $0x0  }
0xc4: {  	s30 =	simm.s32 @!p1 $0x80;
	[sflag:s17] =	ssyncadd.s32 $0xFFFFC000  }
0xc5: {  	[spmem:s2] =	stream.indirect.scatter.add.f32 [tilespmem:s6], [sflag:$0x7], $0x80, s14, s8, $0xb8;
	[tilespmem:$0x1C400] =	vst v63  }
0xc6: {  	s31 =	simm.s32 @!p1 $0x280  }
0xc7: {  	[tilespmem:s30], [sflag:$0x2] =	stream.linear.gather @!p1 [hbm4b:s29+s28], $0x80, $0x38;
	[tilespmem:$0x1C400] =	vst v63  }
0xc8: {  	s29 =	simm.s32 @!p1 $0x7  }
0xc9: {  	[tilespmem:s31], [sflag:$0x2] =	stream.linear.gather @!p1 [hbm4b:s26+s28], $0x80, $0x38;
	[tilespmem:$0x1C400] =	vst v63  }
0xca: {  	_ =	swait.ge @!p1 [sflag:s29], $0x4000  }
0xcb: {  	s26 =	simm.s32 @!p1 $0x1;
	[sflag:s29] =	ssyncset.done @!p1 $0x0  }
0xcc: {  	[sflag:s29] =	ssyncadd.s32 @!p1 $0xFFFFC000  }
0xcd: {  	_ =	swait.ge @!p1 [sflag:s26], $0x80  }
0xce: {  	[sflag:s26] =	ssyncset.done @!p1 $0x0  }
0xcf: {  	[sflag:s26] =	ssyncadd.s32 @!p1 $0xFFFFFF80  }
0xd0: {  	_ =	swait.ge @!p1 [sflag:s26], $0x80  }
.Ltmp2:
0xd1: {  	s29 =	simm.s32 @!p1 $0x400;
	[sflag:s26] =	ssyncset.done @!p1 $0x0;
	(pc) =	sbr.rel @p0 .LBB2_4-.Ltmp2, $4  }
0xd2: {  	[sflag:s26] =	ssyncadd.s32 @!p1 $0xFFFFFF80  }
0xd3: {  	[tilespmem:s29], [sflag:$0x5] =	stream.indirect.gather @!p1 [hbm4b:s4+s30], $0x80, s28, s30, $0xb8;
	[tilespmem:$0x1C400] =	vst v63  }
0xd4: {  	_ =	swait.ge [sflag:s22], $0x4000  }
0xd5: {  	[sflag:s22] =	ssyncset.done $0x0  }
0xd6: {  	[sflag:s22] =	ssyncadd.s32 $0xFFFFC000;
	s28 =	simm.s32 $0x7  }
0xd7: {  	[spmem:s2] =	stream.indirect.scatter.add.f32 [tilespmem:s16], [sflag:$0x8], $0x80, s19, s8, $0xb8;
	[tilespmem:$0x1C400] =	vst v63  }
0xd8: {  	_ =	swait.ge [sflag:s28], $0x4000  }
0xd9: {  	[sflag:s28] =	ssyncset.done $0x0  }
0xda: {  	s29 =	simm.s32 $0x8;
	[sflag:s28] =	ssyncadd.s32 $0xFFFFC000  }
0xdb: {  	_ =	swait.ge [sflag:s29], $0x4000  }
0xdc: {  	[sflag:s29] =	ssyncset.done $0x0  }
0xdd: {  	s30 =	sshll.u32 s1, $0x6;
	s3 =	sshrl.u32 s3, $0x3;
	[sflag:s29] =	ssyncadd.s32 $0xFFFFC000  }
0xde: {  	s31 =	simm.s32 $0x9;
	s2 =	sor.u32 $0x1C09, s30;
	[bflag:$0x0] =	sbarrier.arrive $0xFFFF  }
0xdf: {  	[hbm:s5], [sflag:s2] =	dma.local [spmem:s3], $0x2800  }
0xe0: {  	_ =	swait.ge [sflag:s31], $0x2800  }
0xe1: {  	[sflag:s31] =	ssyncset.done $0x0  }
0xe2: {  	[sflag:s31] =	ssyncadd.s32 $0xFFFFD800  }
.LBB2_6:
0xe3: {  	_ =	sfence.sel $0x180000  }
0xe4: {  	[bflag:$0x0] =	sbarrier.arrive $0xFFFF  }
0xe5: {  	p0 =	sne.s32 s1, $0x0;
	_ =	strace $0x90000047  }
0xe6: {  	s0 =	sadd.s32 @!p0 $0x100000, s0;
	[bflag:$0x2] =	sbarrier.arrive $0xFFFF  }
0xe7: {  	[sflag:s0] =	ssyncadd.tile.s32 @!p0 $0x1;
	_ =	shalt  }
.Lfunc_end2:
_tile_overlayer_lowered:
.L_overlay_start_2:
0xe8: {  	(tag) =	ssettag $0x2  }
0xe9: {  	s0 =	rddreg [dreg:$0x0];
	s2 =	stileid.u32  }
0xea: {  	s1 =	rddreg [dreg:$0x1];
	p0 =	sne.s32 s2, $0x0  }
0xeb: {  	s3 =	rddreg [dreg:$0x2];
	[bflag:$0x3] =	sbarrier.arrive $0xFFFF;
	s2 =	simm.s32 @!p0 $0x1C09  }
0xec: {  	[timem:s3], [sflag:s2] =	dma.local @!p0 [hbm:s0], s1  }
0xed: {  	s0 =	simm.s32 @!p0 $0x9  }
0xee: {  	_ =	swait.ge @!p0 [sflag:s0], s1  }
0xef: {  	s1 =	ssub.s32 @!p0 $0x0, s1;
	[sflag:s0] =	ssyncset.done @!p0 $0x0  }
0xf0: {  	[sflag:s0] =	ssyncadd.s32 @!p0 s1  }
0xf1: {  	[bflag:$0x3] =	sbarrier.arrive $0xFFFF  }
0xf2: {  	_ =	shalt  }

</sc_bundles>
